<compile_context>
chip_gen: v7x
topology: tpu7x:2x2x1
jax: 0.10.2.dev20260603
libtpu: 0.0.44.dev20260713+nightly
codegen_flags: <defaults>
</compile_context>

<pallas_src>
import functools

import numpy as np
import jax
import jax.numpy as jnp
from jax.experimental import pallas as pl
from jax.experimental.pallas import tpu as pltpu

W = 4
HALO = 2 * W


def _static_meta(B, N, T, nb):
    lengths = np.arange(B, dtype=np.int64)
    lens_node = np.repeat(lengths, lengths)[:N]
    starts = np.cumsum(lengths) - lengths
    starts_node = np.repeat(starts, lengths)[:N]
    pos = np.arange(N, dtype=np.int64) - starts_node

    g = (np.arange(nb)[:, None] * T + np.arange(T + 2 * HALO)[None, :]) - HALO
    ok = (g >= 0) & (g < N)
    gc = np.clip(g, 0, N - 1)
    posw = pos[gc]
    lenw = lens_node[gc]
    meta = np.zeros((nb, T + 2 * HALO, 16), dtype=np.float32)
    for d in range(-W, W + 1):
        meta[..., d + W] = (ok & (posw + d >= 0) & (posw + d < lenw)).astype(np.float32)
    meta[..., 11] = ok.astype(np.float32)
    return meta, gc, ok


def _diagcn_block(xm_ref, xc_ref, xp_ref, meta_ref,
                  rw_ref, root_ref, rb_ref, relw_ref, relb_ref, rootw_ref,
                  skw_ref, skb_ref, cw_ref, cb_ref,
                  out_ref, loss_ref, *, T, nb, inv_n):
    i = pl.program_id(0)
    e = jnp.concatenate(
        [xm_ref[T - HALO:, :], xc_ref[...], xp_ref[:HALO, :]], axis=0)
    meta = meta_ref[0]
    sp = meta[:, 9:10]
    xs = e * sp

    Th = T + 2 * W
    s_all = jnp.zeros((Th, e.shape[1]), jnp.float32)
    s_sp = jnp.zeros((Th, e.shape[1]), jnp.float32)
    c_sp = jnp.zeros((Th, 1), jnp.float32)
    c_all = jnp.zeros((Th, 1), jnp.float32)
    for d in range(-W, W + 1):
        m = meta[W:W + Th, d + W:d + W + 1]
        s_all = s_all + m * e[HALO + d - W:HALO + d - W + Th, :]
        s_sp = s_sp + m * xs[HALO + d - W:HALO + d - W + Th, :]
        c_sp = c_sp + m * sp[HALO + d - W:HALO + d - W + Th, :]
        c_all = c_all + m

    sp_h = sp[W:W + Th, :]
    sum1 = sp_h * s_sp
    cnt1 = sp_h * c_sp
    mean1 = sum1 / jnp.maximum(cnt1, 1.0)
    mean0 = (s_all - sum1) / jnp.maximum(c_all - cnt1, 1.0)
    xh = e[W:W + Th, :]

    dn_nn = (((1,), (0,)), ((), ()))
    dn_nt = (((1,), (1,)), ((), ()))
    h = (jax.lax.dot_general(mean0, rw_ref[0], dn_nn,
                             preferred_element_type=jnp.float32)
         + jax.lax.dot_general(mean1, rw_ref[1], dn_nn,
                               preferred_element_type=jnp.float32)
         + jax.lax.dot_general(xh, root_ref[...], dn_nn,
                               preferred_element_type=jnp.float32)
         + rb_ref[...])

    agg = jnp.zeros((T, e.shape[1]), jnp.float32)
    for d in range(-W, W + 1):
        m = meta[HALO:HALO + T, d + W:d + W + 1]
        agg = agg + m * h[W + d:W + d + T, :]
    hc = h[W:W + T, :]
    xc = e[HALO:HALO + T, :]

    h2 = (jax.lax.dot_general(agg, relw_ref[...], dn_nt,
                              preferred_element_type=jnp.float32)
          + relb_ref[...]
          + jax.lax.dot_general(hc, rootw_ref[...], dn_nt,
                                preferred_element_type=jnp.float32))
    z = (h2 + jax.lax.dot_general(xc, skw_ref[...], dn_nt,
                                  preferred_element_type=jnp.float32)
         + skb_ref[...])
    out = (jax.lax.dot_general(z, cw_ref[...], dn_nt,
                               preferred_element_type=jnp.float32)
           + cb_ref[...])
    out_ref[...] = out

    lane = jax.lax.broadcasted_iota(jnp.int32, out.shape, 1)
    neg = jnp.float32(-1e30)
    outm = jnp.where(lane < 6, out, neg)
    mx = jnp.max(outm, axis=1, keepdims=True)
    lse = mx + jnp.log(jnp.sum(jnp.exp(outm - mx), axis=1, keepdims=True))
    lab = meta[HALO:HALO + T, 10:11].astype(jnp.int32)
    rv = meta[HALO:HALO + T, 11:12]
    picked = jnp.sum(jnp.where(lane == lab, out, 0.0), axis=1, keepdims=True)
    partial = jnp.sum(rv * (lse - picked)) * inv_n

    @pl.when(i == 0)
    def _():
        loss_ref[0, 0] = partial

    @pl.when(i > 0)
    def _():
        loss_ref[0, 0] = loss_ref[0, 0] + partial


def kernel(input, dialog_lengths, speakers, labels, rgcn_weight, rgcn_root,
           rgcn_bias, gcn_rel_w, gcn_rel_b, gcn_root_w, skip_w, skip_b,
           cls_w, cls_b):
    B = dialog_lengths.shape[0]
    N, D = input.shape
    H = rgcn_root.shape[1]
    T = 2048
    nb = -(-N // T)
    npad = nb * T

    meta_np, gc, ok = _static_meta(B, N, T, nb)
    meta = jnp.asarray(meta_np)
    okf = jnp.asarray(ok.astype(np.float32))
    gci = jnp.asarray(gc.astype(np.int32))
    spw = speakers.astype(jnp.float32)[gci] * okf
    labw = labels.astype(jnp.float32)[gci] * okf
    meta = meta.at[..., 9].set(spw).at[..., 10].set(labw)

    xpad = jnp.zeros((npad, D), jnp.float32).at[:N].set(input)
    cls_w8 = jnp.zeros((8, H), jnp.float32).at[:6].set(cls_w)
    cls_b8 = jnp.zeros((1, 8), jnp.float32).at[0, :6].set(cls_b)

    row_spec = lambda f: pl.BlockSpec((T, D), lambda i: (f(i), 0))
    full = lambda a: pl.BlockSpec(a.shape, lambda i: (0,) * a.ndim)

    out, loss = pl.pallas_call(
        functools.partial(_diagcn_block, T=T, nb=nb, inv_n=1.0 / N),
        grid=(nb,),
        in_specs=[
            row_spec(lambda i: jnp.maximum(i - 1, 0)),
            row_spec(lambda i: i),
            row_spec(lambda i: jnp.minimum(i + 1, nb - 1)),
            pl.BlockSpec((1, T + 2 * HALO, 16), lambda i: (i, 0, 0)),
            full(rgcn_weight), full(rgcn_root),
            pl.BlockSpec((1, H), lambda i: (0, 0)),
            full(gcn_rel_w), pl.BlockSpec((1, H), lambda i: (0, 0)),
            full(gcn_root_w), full(skip_w),
            pl.BlockSpec((1, H), lambda i: (0, 0)),
            full(cls_w8), full(cls_b8),
        ],
        out_specs=[
            pl.BlockSpec((T, 8), lambda i: (i, 0)),
            pl.BlockSpec(memory_space=pltpu.SMEM),
        ],
        out_shape=[
            jax.ShapeDtypeStruct((npad, 8), jnp.float32),
            jax.ShapeDtypeStruct((1, 1), jnp.float32),
        ],
    )(xpad, xpad, xpad, meta, rgcn_weight, rgcn_root,
      rgcn_bias.reshape(1, H), gcn_rel_w, gcn_rel_b.reshape(1, H),
      gcn_root_w, skip_w, skip_b.reshape(1, H), cls_w8, cls_b8)

    return (out[:N, :6], loss[0, 0])

# --- scband reference (transcript-rebuilt; emitter-appended) ---
"""Pipeline reference for scband-diagcn-34677565948510 (READ-ONLY COPY).

The authoritative reference and input builder live on the scoring server;
editing this copy changes nothing except your own understanding.
"""

import jax, jax.numpy as jnp
import numpy as np

TO_FUTURE = 4
TO_PAST = 4

def _build_edges(dialog_lengths):
    srcs, dsts = [], []
    offset = 0
    for L in np.asarray(dialog_lengths).tolist():
        L = int(L)
        for ii in range(L):
            lo = max(ii - TO_PAST, 0)
            hi = min(ii + TO_FUTURE + 1, L)
            for jj in range(lo, hi):
                srcs.append(offset + ii)
                dsts.append(offset + jj)
        offset += L
    return np.asarray(srcs, dtype=np.int32), np.asarray(dsts, dtype=np.int32)

def setup_inputs(seed: int = 0):
    key = jax.random.key(seed)
    B = 200
    D = 128
    H = 128
    C = 6
    dialog_lengths = jnp.arange(B)
    N = int(np.arange(B).sum())
    ks = [jax.random.fold_in(key, i) for i in range(16)]
    s = 1.0 / np.sqrt(D)
    inp = {}
    inp['input'] = jax.random.normal(ks[0], (N, D), dtype=jnp.float32)
    inp['dialog_lengths'] = dialog_lengths
    inp['speakers'] = jax.random.randint(ks[1], (N,), 0, 2)
    inp['labels'] = jax.random.randint(ks[2], (N,), 0, C)
    inp['rgcn_weight'] = jax.random.normal(ks[3], (2, D, H), dtype=jnp.float32) * s
    inp['rgcn_root'] = jax.random.normal(ks[4], (D, H), dtype=jnp.float32) * s
    inp['rgcn_bias'] = jnp.zeros((H,), dtype=jnp.float32)
    inp['gcn_rel_w'] = jax.random.normal(ks[5], (H, H), dtype=jnp.float32) * s
    inp['gcn_rel_b'] = jnp.zeros((H,), dtype=jnp.float32)
    inp['gcn_root_w'] = jax.random.normal(ks[6], (H, H), dtype=jnp.float32) * s
    inp['skip_w'] = jax.random.normal(ks[7], (H, D), dtype=jnp.float32) * s
    inp['skip_b'] = jnp.zeros((H,), dtype=jnp.float32)
    inp['cls_w'] = jax.random.normal(ks[8], (C, H), dtype=jnp.float32) * s
    inp['cls_b'] = jnp.zeros((C,), dtype=jnp.float32)
    return inp

def reference(input, dialog_lengths, speakers, labels, rgcn_weight, rgcn_root, rgcn_bias, gcn_rel_w, gcn_rel_b, gcn_root_w, skip_w, skip_b, cls_w, cls_b):
    B = dialog_lengths.shape[0]
    src, dst = _build_edges(np.arange(B))
    sp = jnp.asarray(speakers)
    etype = sp[src] * sp[dst]
    N = input.shape[0]
    H = rgcn_root.shape[1]
    # RGCNConv (num_relations=2, mean aggregation per relation + root + bias)
    h = jnp.zeros((N, H), dtype=input.dtype)
    msg_all = jnp.take(input, src, axis=0)
    for r in range(2):
        w = (etype == r).astype(input.dtype)[:, None]
        summed = jax.ops.segment_sum(msg_all * w, dst, num_segments=N)
        cnt = jax.ops.segment_sum(w, dst, num_segments=N)
        mean = summed / jnp.maximum(cnt, 1.0)
        h = h + mean @ rgcn_weight[r]
    h = h + input @ rgcn_root + rgcn_bias
    # GraphConv (add aggregation): lin_rel(sum_j x_j) + lin_root(x_i)
    agg = jax.ops.segment_sum(jnp.take(h, src, axis=0), dst, num_segments=N)
    h2 = agg @ gcn_rel_w.T + gcn_rel_b + h @ gcn_root_w.T
    out = (h2 + input @ skip_w.T + skip_b) @ cls_w.T + cls_b
    logp = jax.nn.log_softmax(out, axis=-1)
    loss = -jnp.mean(logp[jnp.arange(N), labels])
    return (out, loss)

if __name__ == "__main__":
    import jax
    _d = setup_inputs()
    print(jax.jit(kernel)(*tuple(_d.values())))

</pallas_src>

<mosaic_0001>
module attributes {stable_mosaic.version = 14 : i64} {
  func.func @_diagcn_block(%arg0: i32, %arg1: memref<2048x128xf32, #tpu.memory_space<vmem>>, %arg2: memref<2048x128xf32, #tpu.memory_space<vmem>>, %arg3: memref<2048x128xf32, #tpu.memory_space<vmem>>, %arg4: memref<1x2064x16xf32, #tpu.memory_space<vmem>>, %arg5: memref<2x128x128xf32, #tpu.memory_space<vmem>>, %arg6: memref<128x128xf32, #tpu.memory_space<vmem>>, %arg7: memref<1x128xf32, #tpu.memory_space<vmem>>, %arg8: memref<128x128xf32, #tpu.memory_space<vmem>>, %arg9: memref<1x128xf32, #tpu.memory_space<vmem>>, %arg10: memref<128x128xf32, #tpu.memory_space<vmem>>, %arg11: memref<128x128xf32, #tpu.memory_space<vmem>>, %arg12: memref<1x128xf32, #tpu.memory_space<vmem>>, %arg13: memref<8x128xf32, #tpu.memory_space<vmem>>, %arg14: memref<1x8xf32, #tpu.memory_space<vmem>>, %arg15: memref<2048x8xf32, #tpu.memory_space<vmem>>, %arg16: memref<1x1xf32, #tpu.memory_space<smem>>) attributes {dimension_semantics = [#tpu.dimension_semantics<arbitrary>], iteration_bounds = array<i64: 10>, scalar_prefetch = 0 : i64, scratch_operands = 0 : i64, tpu.core_type = #tpu.core_type<tc>, window_params = [{transform_indices = @transform_0, window_bounds = array<i64: 2048, 128>}, {transform_indices = @transform_1, window_bounds = array<i64: 2048, 128>}, {transform_indices = @transform_2, window_bounds = array<i64: 2048, 128>}, {transform_indices = @transform_3, window_bounds = array<i64: 1, 2064, 16>}, {pipeline_mode = #tpu.pipeline_mode<synchronous>, transform_indices = @transform_4, window_bounds = array<i64: 2, 128, 128>}, {pipeline_mode = #tpu.pipeline_mode<synchronous>, transform_indices = @transform_5, window_bounds = array<i64: 128, 128>}, {pipeline_mode = #tpu.pipeline_mode<synchronous>, transform_indices = @transform_6, window_bounds = array<i64: 1, 128>}, {pipeline_mode = #tpu.pipeline_mode<synchronous>, transform_indices = @transform_7, window_bounds = array<i64: 128, 128>}, {pipeline_mode = #tpu.pipeline_mode<synchronous>, transform_indices = @transform_8, window_bounds = array<i64: 1, 128>}, {pipeline_mode = #tpu.pipeline_mode<synchronous>, transform_indices = @transform_9, window_bounds = array<i64: 128, 128>}, {pipeline_mode = #tpu.pipeline_mode<synchronous>, transform_indices = @transform_10, window_bounds = array<i64: 128, 128>}, {pipeline_mode = #tpu.pipeline_mode<synchronous>, transform_indices = @transform_11, window_bounds = array<i64: 1, 128>}, {pipeline_mode = #tpu.pipeline_mode<synchronous>, transform_indices = @transform_12, window_bounds = array<i64: 8, 128>}, {pipeline_mode = #tpu.pipeline_mode<synchronous>, transform_indices = @transform_13, window_bounds = array<i64: 1, 8>}, {transform_indices = @transform_14, window_bounds = array<i64: 2048, 8>}, {transform_indices = @transform_15, window_bounds = array<i64: 1, 1>}]} {
    %get3A = arith.constant 2040 : index
    %get3A_0 = arith.constant 0 : index
    %get3A_1 = vector.load %arg1[%get3A, %get3A_0] : memref<2048x128xf32, #tpu.memory_space<vmem>>, vector<8x128xf32>
    %get3A_2 = arith.constant 0 : index
    %get3A_3 = arith.constant 0 : index
    %get3A_4 = vector.load %arg2[%get3A_2, %get3A_3] : memref<2048x128xf32, #tpu.memory_space<vmem>>, vector<2048x128xf32>
    %get3A_5 = arith.constant 0 : index
    %get3A_6 = arith.constant 0 : index
    %get3A_7 = vector.load %arg3[%get3A_5, %get3A_6] : memref<2048x128xf32, #tpu.memory_space<vmem>>, vector<8x128xf32>
    %concatenate3A = tpu.concatenate %get3A_1, %get3A_4, %get3A_7 in 0 : vector<8x128xf32>, vector<2048x128xf32>, vector<8x128xf32> -> vector<2064x128xf32>
    %get3A_8 = arith.constant 0 : index
    %get3A_9 = arith.constant 0 : index
    %get3A_10 = arith.constant 0 : index
    %get3A_11 = vector.load %arg4[%get3A_8, %get3A_9, %get3A_10] : memref<1x2064x16xf32, #tpu.memory_space<vmem>>, vector<1x2064x16xf32>
    %get3A_12 = vector.shape_cast %get3A_11 : vector<1x2064x16xf32> to vector<2064x16xf32>
    %slice3A = vector.extract_strided_slice %get3A_12 {offsets = [0, 9], sizes = [2064, 1], strides = [1, 1]} : vector<2064x16xf32> to vector<2064x1xf32>
    %mul3A = vector.broadcast %slice3A : vector<2064x1xf32> to vector<2064x128xf32>
    %mul3A_13 = arith.mulf %concatenate3A, %mul3A : vector<2064x128xf32>
    %broadcast_in_dim3A = arith.constant 0.000000e+00 : f32
    %broadcast_in_dim3A_14 = vector.broadcast %broadcast_in_dim3A : f32 to vector<2056x128xf32>
    %broadcast_in_dim3A_15 = arith.constant 0.000000e+00 : f32
    %broadcast_in_dim3A_16 = vector.broadcast %broadcast_in_dim3A_15 : f32 to vector<2056x128xf32>
    %broadcast_in_dim3A_17 = arith.constant 0.000000e+00 : f32
    %broadcast_in_dim3A_18 = vector.broadcast %broadcast_in_dim3A_17 : f32 to vector<2056x1xf32>
    %broadcast_in_dim3A_19 = arith.constant 0.000000e+00 : f32
    %broadcast_in_dim3A_20 = vector.broadcast %broadcast_in_dim3A_19 : f32 to vector<2056x1xf32>
    %slice3A_21 = vector.extract_strided_slice %get3A_12 {offsets = [4, 0], sizes = [2056, 1], strides = [1, 1]} : vector<2064x16xf32> to vector<2056x1xf32>
    %slice3A_22 = vector.extract_strided_slice %concatenate3A {offsets = [0, 0], sizes = [2056, 128], strides = [1, 1]} : vector<2064x128xf32> to vector<2056x128xf32>
    %mul3A_23 = vector.broadcast %slice3A_21 : vector<2056x1xf32> to vector<2056x128xf32>
    %mul3A_24 = arith.mulf %mul3A_23, %slice3A_22 : vector<2056x128xf32>
    %add3A = arith.addf %broadcast_in_dim3A_14, %mul3A_24 : vector<2056x128xf32>
    %slice3A_25 = vector.extract_strided_slice %mul3A_13 {offsets = [0, 0], sizes = [2056, 128], strides = [1, 1]} : vector<2064x128xf32> to vector<2056x128xf32>
    %mul3A_26 = vector.broadcast %slice3A_21 : vector<2056x1xf32> to vector<2056x128xf32>
    %mul3A_27 = arith.mulf %mul3A_26, %slice3A_25 : vector<2056x128xf32>
    %add3A_28 = arith.addf %broadcast_in_dim3A_16, %mul3A_27 : vector<2056x128xf32>
    %slice3A_29 = vector.extract_strided_slice %slice3A {offsets = [0, 0], sizes = [2056, 1], strides = [1, 1]} : vector<2064x1xf32> to vector<2056x1xf32>
    %mul3A_30 = arith.mulf %slice3A_21, %slice3A_29 : vector<2056x1xf32>
    %add3A_31 = arith.addf %broadcast_in_dim3A_18, %mul3A_30 : vector<2056x1xf32>
    %add3A_32 = arith.addf %broadcast_in_dim3A_20, %slice3A_21 : vector<2056x1xf32>
    %slice3A_33 = vector.extract_strided_slice %get3A_12 {offsets = [4, 1], sizes = [2056, 1], strides = [1, 1]} : vector<2064x16xf32> to vector<2056x1xf32>
    %slice3A_34 = vector.extract_strided_slice %concatenate3A {offsets = [1, 0], sizes = [2056, 128], strides = [1, 1]} : vector<2064x128xf32> to vector<2056x128xf32>
    %mul3A_35 = vector.broadcast %slice3A_33 : vector<2056x1xf32> to vector<2056x128xf32>
    %mul3A_36 = arith.mulf %mul3A_35, %slice3A_34 : vector<2056x128xf32>
    %add3A_37 = arith.addf %add3A, %mul3A_36 : vector<2056x128xf32>
    %slice3A_38 = vector.extract_strided_slice %mul3A_13 {offsets = [1, 0], sizes = [2056, 128], strides = [1, 1]} : vector<2064x128xf32> to vector<2056x128xf32>
    %mul3A_39 = vector.broadcast %slice3A_33 : vector<2056x1xf32> to vector<2056x128xf32>
    %mul3A_40 = arith.mulf %mul3A_39, %slice3A_38 : vector<2056x128xf32>
    %add3A_41 = arith.addf %add3A_28, %mul3A_40 : vector<2056x128xf32>
    %slice3A_42 = vector.extract_strided_slice %slice3A {offsets = [1, 0], sizes = [2056, 1], strides = [1, 1]} : vector<2064x1xf32> to vector<2056x1xf32>
    %mul3A_43 = arith.mulf %slice3A_33, %slice3A_42 : vector<2056x1xf32>
    %add3A_44 = arith.addf %add3A_31, %mul3A_43 : vector<2056x1xf32>
    %add3A_45 = arith.addf %add3A_32, %slice3A_33 : vector<2056x1xf32>
    %slice3A_46 = vector.extract_strided_slice %get3A_12 {offsets = [4, 2], sizes = [2056, 1], strides = [1, 1]} : vector<2064x16xf32> to vector<2056x1xf32>
    %slice3A_47 = vector.extract_strided_slice %concatenate3A {offsets = [2, 0], sizes = [2056, 128], strides = [1, 1]} : vector<2064x128xf32> to vector<2056x128xf32>
    %mul3A_48 = vector.broadcast %slice3A_46 : vector<2056x1xf32> to vector<2056x128xf32>
    %mul3A_49 = arith.mulf %mul3A_48, %slice3A_47 : vector<2056x128xf32>
    %add3A_50 = arith.addf %add3A_37, %mul3A_49 : vector<2056x128xf32>
    %slice3A_51 = vector.extract_strided_slice %mul3A_13 {offsets = [2, 0], sizes = [2056, 128], strides = [1, 1]} : vector<2064x128xf32> to vector<2056x128xf32>
    %mul3A_52 = vector.broadcast %slice3A_46 : vector<2056x1xf32> to vector<2056x128xf32>
    %mul3A_53 = arith.mulf %mul3A_52, %slice3A_51 : vector<2056x128xf32>
    %add3A_54 = arith.addf %add3A_41, %mul3A_53 : vector<2056x128xf32>
    %slice3A_55 = vector.extract_strided_slice %slice3A {offsets = [2, 0], sizes = [2056, 1], strides = [1, 1]} : vector<2064x1xf32> to vector<2056x1xf32>
    %mul3A_56 = arith.mulf %slice3A_46, %slice3A_55 : vector<2056x1xf32>
    %add3A_57 = arith.addf %add3A_44, %mul3A_56 : vector<2056x1xf32>
    %add3A_58 = arith.addf %add3A_45, %slice3A_46 : vector<2056x1xf32>
    %slice3A_59 = vector.extract_strided_slice %get3A_12 {offsets = [4, 3], sizes = [2056, 1], strides = [1, 1]} : vector<2064x16xf32> to vector<2056x1xf32>
    %slice3A_60 = vector.extract_strided_slice %concatenate3A {offsets = [3, 0], sizes = [2056, 128], strides = [1, 1]} : vector<2064x128xf32> to vector<2056x128xf32>
    %mul3A_61 = vector.broadcast %slice3A_59 : vector<2056x1xf32> to vector<2056x128xf32>
    %mul3A_62 = arith.mulf %mul3A_61, %slice3A_60 : vector<2056x128xf32>
    %add3A_63 = arith.addf %add3A_50, %mul3A_62 : vector<2056x128xf32>
    %slice3A_64 = vector.extract_strided_slice %mul3A_13 {offsets = [3, 0], sizes = [2056, 128], strides = [1, 1]} : vector<2064x128xf32> to vector<2056x128xf32>
    %mul3A_65 = vector.broadcast %slice3A_59 : vector<2056x1xf32> to vector<2056x128xf32>
    %mul3A_66 = arith.mulf %mul3A_65, %slice3A_64 : vector<2056x128xf32>
    %add3A_67 = arith.addf %add3A_54, %mul3A_66 : vector<2056x128xf32>
    %slice3A_68 = vector.extract_strided_slice %slice3A {offsets = [3, 0], sizes = [2056, 1], strides = [1, 1]} : vector<2064x1xf32> to vector<2056x1xf32>
    %mul3A_69 = arith.mulf %slice3A_59, %slice3A_68 : vector<2056x1xf32>
    %add3A_70 = arith.addf %add3A_57, %mul3A_69 : vector<2056x1xf32>
    %add3A_71 = arith.addf %add3A_58, %slice3A_59 : vector<2056x1xf32>
    %slice3A_72 = vector.extract_strided_slice %get3A_12 {offsets = [4, 4], sizes = [2056, 1], strides = [1, 1]} : vector<2064x16xf32> to vector<2056x1xf32>
    %slice3A_73 = vector.extract_strided_slice %concatenate3A {offsets = [4, 0], sizes = [2056, 128], strides = [1, 1]} : vector<2064x128xf32> to vector<2056x128xf32>
    %mul3A_74 = vector.broadcast %slice3A_72 : vector<2056x1xf32> to vector<2056x128xf32>
    %mul3A_75 = arith.mulf %mul3A_74, %slice3A_73 : vector<2056x128xf32>
    %add3A_76 = arith.addf %add3A_63, %mul3A_75 : vector<2056x128xf32>
    %slice3A_77 = vector.extract_strided_slice %mul3A_13 {offsets = [4, 0], sizes = [2056, 128], strides = [1, 1]} : vector<2064x128xf32> to vector<2056x128xf32>
    %mul3A_78 = vector.broadcast %slice3A_72 : vector<2056x1xf32> to vector<2056x128xf32>
    %mul3A_79 = arith.mulf %mul3A_78, %slice3A_77 : vector<2056x128xf32>
    %add3A_80 = arith.addf %add3A_67, %mul3A_79 : vector<2056x128xf32>
    %slice3A_81 = vector.extract_strided_slice %slice3A {offsets = [4, 0], sizes = [2056, 1], strides = [1, 1]} : vector<2064x1xf32> to vector<2056x1xf32>
    %mul3A_82 = arith.mulf %slice3A_72, %slice3A_81 : vector<2056x1xf32>
    %add3A_83 = arith.addf %add3A_70, %mul3A_82 : vector<2056x1xf32>
    %add3A_84 = arith.addf %add3A_71, %slice3A_72 : vector<2056x1xf32>
    %slice3A_85 = vector.extract_strided_slice %get3A_12 {offsets = [4, 5], sizes = [2056, 1], strides = [1, 1]} : vector<2064x16xf32> to vector<2056x1xf32>
    %slice3A_86 = vector.extract_strided_slice %concatenate3A {offsets = [5, 0], sizes = [2056, 128], strides = [1, 1]} : vector<2064x128xf32> to vector<2056x128xf32>
    %mul3A_87 = vector.broadcast %slice3A_85 : vector<2056x1xf32> to vector<2056x128xf32>
    %mul3A_88 = arith.mulf %mul3A_87, %slice3A_86 : vector<2056x128xf32>
    %add3A_89 = arith.addf %add3A_76, %mul3A_88 : vector<2056x128xf32>
    %slice3A_90 = vector.extract_strided_slice %mul3A_13 {offsets = [5, 0], sizes = [2056, 128], strides = [1, 1]} : vector<2064x128xf32> to vector<2056x128xf32>
    %mul3A_91 = vector.broadcast %slice3A_85 : vector<2056x1xf32> to vector<2056x128xf32>
    %mul3A_92 = arith.mulf %mul3A_91, %slice3A_90 : vector<2056x128xf32>
    %add3A_93 = arith.addf %add3A_80, %mul3A_92 : vector<2056x128xf32>
    %slice3A_94 = vector.extract_strided_slice %slice3A {offsets = [5, 0], sizes = [2056, 1], strides = [1, 1]} : vector<2064x1xf32> to vector<2056x1xf32>
    %mul3A_95 = arith.mulf %slice3A_85, %slice3A_94 : vector<2056x1xf32>
    %add3A_96 = arith.addf %add3A_83, %mul3A_95 : vector<2056x1xf32>
    %add3A_97 = arith.addf %add3A_84, %slice3A_85 : vector<2056x1xf32>
    %slice3A_98 = vector.extract_strided_slice %get3A_12 {offsets = [4, 6], sizes = [2056, 1], strides = [1, 1]} : vector<2064x16xf32> to vector<2056x1xf32>
    %slice3A_99 = vector.extract_strided_slice %concatenate3A {offsets = [6, 0], sizes = [2056, 128], strides = [1, 1]} : vector<2064x128xf32> to vector<2056x128xf32>
    %mul3A_100 = vector.broadcast %slice3A_98 : vector<2056x1xf32> to vector<2056x128xf32>
    %mul3A_101 = arith.mulf %mul3A_100, %slice3A_99 : vector<2056x128xf32>
    %add3A_102 = arith.addf %add3A_89, %mul3A_101 : vector<2056x128xf32>
    %slice3A_103 = vector.extract_strided_slice %mul3A_13 {offsets = [6, 0], sizes = [2056, 128], strides = [1, 1]} : vector<2064x128xf32> to vector<2056x128xf32>
    %mul3A_104 = vector.broadcast %slice3A_98 : vector<2056x1xf32> to vector<2056x128xf32>
    %mul3A_105 = arith.mulf %mul3A_104, %slice3A_103 : vector<2056x128xf32>
    %add3A_106 = arith.addf %add3A_93, %mul3A_105 : vector<2056x128xf32>
    %slice3A_107 = vector.extract_strided_slice %slice3A {offsets = [6, 0], sizes = [2056, 1], strides = [1, 1]} : vector<2064x1xf32> to vector<2056x1xf32>
    %mul3A_108 = arith.mulf %slice3A_98, %slice3A_107 : vector<2056x1xf32>
    %add3A_109 = arith.addf %add3A_96, %mul3A_108 : vector<2056x1xf32>
    %add3A_110 = arith.addf %add3A_97, %slice3A_98 : vector<2056x1xf32>
    %slice3A_111 = vector.extract_strided_slice %get3A_12 {offsets = [4, 7], sizes = [2056, 1], strides = [1, 1]} : vector<2064x16xf32> to vector<2056x1xf32>
    %slice3A_112 = vector.extract_strided_slice %concatenate3A {offsets = [7, 0], sizes = [2056, 128], strides = [1, 1]} : vector<2064x128xf32> to vector<2056x128xf32>
    %mul3A_113 = vector.broadcast %slice3A_111 : vector<2056x1xf32> to vector<2056x128xf32>
    %mul3A_114 = arith.mulf %mul3A_113, %slice3A_112 : vector<2056x128xf32>
    %add3A_115 = arith.addf %add3A_102, %mul3A_114 : vector<2056x128xf32>
    %slice3A_116 = vector.extract_strided_slice %mul3A_13 {offsets = [7, 0], sizes = [2056, 128], strides = [1, 1]} : vector<2064x128xf32> to vector<2056x128xf32>
    %mul3A_117 = vector.broadcast %slice3A_111 : vector<2056x1xf32> to vector<2056x128xf32>
    %mul3A_118 = arith.mulf %mul3A_117, %slice3A_116 : vector<2056x128xf32>
    %add3A_119 = arith.addf %add3A_106, %mul3A_118 : vector<2056x128xf32>
    %slice3A_120 = vector.extract_strided_slice %slice3A {offsets = [7, 0], sizes = [2056, 1], strides = [1, 1]} : vector<2064x1xf32> to vector<2056x1xf32>
    %mul3A_121 = arith.mulf %slice3A_111, %slice3A_120 : vector<2056x1xf32>
    %add3A_122 = arith.addf %add3A_109, %mul3A_121 : vector<2056x1xf32>
    %add3A_123 = arith.addf %add3A_110, %slice3A_111 : vector<2056x1xf32>
    %slice3A_124 = vector.extract_strided_slice %get3A_12 {offsets = [4, 8], sizes = [2056, 1], strides = [1, 1]} : vector<2064x16xf32> to vector<2056x1xf32>
    %slice3A_125 = vector.extract_strided_slice %concatenate3A {offsets = [8, 0], sizes = [2056, 128], strides = [1, 1]} : vector<2064x128xf32> to vector<2056x128xf32>
    %mul3A_126 = vector.broadcast %slice3A_124 : vector<2056x1xf32> to vector<2056x128xf32>
    %mul3A_127 = arith.mulf %mul3A_126, %slice3A_125 : vector<2056x128xf32>
    %add3A_128 = arith.addf %add3A_115, %mul3A_127 : vector<2056x128xf32>
    %slice3A_129 = vector.extract_strided_slice %mul3A_13 {offsets = [8, 0], sizes = [2056, 128], strides = [1, 1]} : vector<2064x128xf32> to vector<2056x128xf32>
    %mul3A_130 = vector.broadcast %slice3A_124 : vector<2056x1xf32> to vector<2056x128xf32>
    %mul3A_131 = arith.mulf %mul3A_130, %slice3A_129 : vector<2056x128xf32>
    %add3A_132 = arith.addf %add3A_119, %mul3A_131 : vector<2056x128xf32>
    %slice3A_133 = vector.extract_strided_slice %slice3A {offsets = [8, 0], sizes = [2056, 1], strides = [1, 1]} : vector<2064x1xf32> to vector<2056x1xf32>
    %mul3A_134 = arith.mulf %slice3A_124, %slice3A_133 : vector<2056x1xf32>
    %add3A_135 = arith.addf %add3A_122, %mul3A_134 : vector<2056x1xf32>
    %add3A_136 = arith.addf %add3A_123, %slice3A_124 : vector<2056x1xf32>
    %slice3A_137 = vector.extract_strided_slice %slice3A {offsets = [4, 0], sizes = [2056, 1], strides = [1, 1]} : vector<2064x1xf32> to vector<2056x1xf32>
    %mul3A_138 = vector.broadcast %slice3A_137 : vector<2056x1xf32> to vector<2056x128xf32>
    %mul3A_139 = arith.mulf %mul3A_138, %add3A_132 : vector<2056x128xf32>
    %mul3A_140 = arith.mulf %slice3A_137, %add3A_135 : vector<2056x1xf32>
    %max3A = arith.constant 1.000000e+00 : f32
    %max3A_141 = vector.broadcast %max3A : f32 to vector<2056x1xf32>
    %max3A_142 = arith.maximumf %mul3A_140, %max3A_141 : vector<2056x1xf32>
    %div3A = vector.broadcast %max3A_142 : vector<2056x1xf32> to vector<2056x128xf32>
    %div3A_143 = arith.divf %mul3A_139, %div3A : vector<2056x128xf32>
    %sub3A = arith.subf %add3A_128, %mul3A_139 : vector<2056x128xf32>
    %sub3A_144 = arith.subf %add3A_136, %mul3A_140 : vector<2056x1xf32>
    %max3A_145 = arith.constant 1.000000e+00 : f32
    %max3A_146 = vector.broadcast %max3A_145 : f32 to vector<2056x1xf32>
    %max3A_147 = arith.maximumf %sub3A_144, %max3A_146 : vector<2056x1xf32>
    %div3A_148 = vector.broadcast %max3A_147 : vector<2056x1xf32> to vector<2056x128xf32>
    %div3A_149 = arith.divf %sub3A, %div3A_148 : vector<2056x128xf32>
    %slice3A_150 = vector.extract_strided_slice %concatenate3A {offsets = [4, 0], sizes = [2056, 128], strides = [1, 1]} : vector<2064x128xf32> to vector<2056x128xf32>
    %get3A_151 = arith.constant 0 : index
    %get3A_152 = arith.constant 0 : index
    %get3A_153 = arith.constant 0 : index
    %get3A_154 = vector.load %arg5[%get3A_151, %get3A_152, %get3A_153] : memref<2x128x128xf32, #tpu.memory_space<vmem>>, vector<1x128x128xf32>
    %get3A_155 = vector.shape_cast %get3A_154 : vector<1x128x128xf32> to vector<128x128xf32>
    %dot_general3A = arith.constant dense<0.000000e+00> : vector<2056x128xf32>
    %dot_general3A_156 = tpu.matmul %div3A_149, %get3A_155, %dot_general3A {dimension_numbers = #tpu.dot_dimension_numbers<[1], [0], [0], [1], [0, 0, 1, 1], [], []>, transpose_lhs_hint = false} : vector<2056x128xf32>, vector<128x128xf32>, vector<2056x128xf32> -> vector<2056x128xf32>
    %get3A_157 = arith.constant 1 : index
    %get3A_158 = arith.constant 0 : index
    %get3A_159 = arith.constant 0 : index
    %get3A_160 = vector.load %arg5[%get3A_157, %get3A_158, %get3A_159] : memref<2x128x128xf32, #tpu.memory_space<vmem>>, vector<1x128x128xf32>
    %get3A_161 = vector.shape_cast %get3A_160 : vector<1x128x128xf32> to vector<128x128xf32>
    %dot_general3A_162 = arith.constant dense<0.000000e+00> : vector<2056x128xf32>
    %dot_general3A_163 = tpu.matmul %div3A_143, %get3A_161, %dot_general3A_162 {dimension_numbers = #tpu.dot_dimension_numbers<[1], [0], [0], [1], [0, 0, 1, 1], [], []>, transpose_lhs_hint = false} : vector<2056x128xf32>, vector<128x128xf32>, vector<2056x128xf32> -> vector<2056x128xf32>
    %add3A_164 = arith.addf %dot_general3A_156, %dot_general3A_163 : vector<2056x128xf32>
    %get3A_165 = arith.constant 0 : index
    %get3A_166 = arith.constant 0 : index
    %get3A_167 = vector.load %arg6[%get3A_165, %get3A_166] : memref<128x128xf32, #tpu.memory_space<vmem>>, vector<128x128xf32>
    %dot_general3A_168 = arith.constant dense<0.000000e+00> : vector<2056x128xf32>
    %dot_general3A_169 = tpu.matmul %slice3A_150, %get3A_167, %dot_general3A_168 {dimension_numbers = #tpu.dot_dimension_numbers<[1], [0], [0], [1], [0, 0, 1, 1], [], []>, transpose_lhs_hint = false} : vector<2056x128xf32>, vector<128x128xf32>, vector<2056x128xf32> -> vector<2056x128xf32>
    %add3A_170 = arith.addf %add3A_164, %dot_general3A_169 : vector<2056x128xf32>
    %get3A_171 = arith.constant 0 : index
    %get3A_172 = arith.constant 0 : index
    %get3A_173 = vector.load %arg7[%get3A_171, %get3A_172] : memref<1x128xf32, #tpu.memory_space<vmem>>, vector<1x128xf32>
    %add3A_174 = vector.broadcast %get3A_173 : vector<1x128xf32> to vector<2056x128xf32>
    %add3A_175 = arith.addf %add3A_170, %add3A_174 : vector<2056x128xf32>
    %broadcast_in_dim3A_176 = arith.constant 0.000000e+00 : f32
    %broadcast_in_dim3A_177 = vector.broadcast %broadcast_in_dim3A_176 : f32 to vector<2048x128xf32>
    %slice3A_178 = vector.extract_strided_slice %get3A_12 {offsets = [8, 0], sizes = [2048, 1], strides = [1, 1]} : vector<2064x16xf32> to vector<2048x1xf32>
    %slice3A_179 = vector.extract_strided_slice %add3A_175 {offsets = [0, 0], sizes = [2048, 128], strides = [1, 1]} : vector<2056x128xf32> to vector<2048x128xf32>
    %mul3A_180 = vector.broadcast %slice3A_178 : vector<2048x1xf32> to vector<2048x128xf32>
    %mul3A_181 = arith.mulf %mul3A_180, %slice3A_179 : vector<2048x128xf32>
    %add3A_182 = arith.addf %broadcast_in_dim3A_177, %mul3A_181 : vector<2048x128xf32>
    %slice3A_183 = vector.extract_strided_slice %get3A_12 {offsets = [8, 1], sizes = [2048, 1], strides = [1, 1]} : vector<2064x16xf32> to vector<2048x1xf32>
    %slice3A_184 = vector.extract_strided_slice %add3A_175 {offsets = [1, 0], sizes = [2048, 128], strides = [1, 1]} : vector<2056x128xf32> to vector<2048x128xf32>
    %mul3A_185 = vector.broadcast %slice3A_183 : vector<2048x1xf32> to vector<2048x128xf32>
    %mul3A_186 = arith.mulf %mul3A_185, %slice3A_184 : vector<2048x128xf32>
    %add3A_187 = arith.addf %add3A_182, %mul3A_186 : vector<2048x128xf32>
    %slice3A_188 = vector.extract_strided_slice %get3A_12 {offsets = [8, 2], sizes = [2048, 1], strides = [1, 1]} : vector<2064x16xf32> to vector<2048x1xf32>
    %slice3A_189 = vector.extract_strided_slice %add3A_175 {offsets = [2, 0], sizes = [2048, 128], strides = [1, 1]} : vector<2056x128xf32> to vector<2048x128xf32>
    %mul3A_190 = vector.broadcast %slice3A_188 : vector<2048x1xf32> to vector<2048x128xf32>
    %mul3A_191 = arith.mulf %mul3A_190, %slice3A_189 : vector<2048x128xf32>
    %add3A_192 = arith.addf %add3A_187, %mul3A_191 : vector<2048x128xf32>
    %slice3A_193 = vector.extract_strided_slice %get3A_12 {offsets = [8, 3], sizes = [2048, 1], strides = [1, 1]} : vector<2064x16xf32> to vector<2048x1xf32>
    %slice3A_194 = vector.extract_strided_slice %add3A_175 {offsets = [3, 0], sizes = [2048, 128], strides = [1, 1]} : vector<2056x128xf32> to vector<2048x128xf32>
    %mul3A_195 = vector.broadcast %slice3A_193 : vector<2048x1xf32> to vector<2048x128xf32>
    %mul3A_196 = arith.mulf %mul3A_195, %slice3A_194 : vector<2048x128xf32>
    %add3A_197 = arith.addf %add3A_192, %mul3A_196 : vector<2048x128xf32>
    %slice3A_198 = vector.extract_strided_slice %get3A_12 {offsets = [8, 4], sizes = [2048, 1], strides = [1, 1]} : vector<2064x16xf32> to vector<2048x1xf32>
    %slice3A_199 = vector.extract_strided_slice %add3A_175 {offsets = [4, 0], sizes = [2048, 128], strides = [1, 1]} : vector<2056x128xf32> to vector<2048x128xf32>
    %mul3A_200 = vector.broadcast %slice3A_198 : vector<2048x1xf32> to vector<2048x128xf32>
    %mul3A_201 = arith.mulf %mul3A_200, %slice3A_199 : vector<2048x128xf32>
    %add3A_202 = arith.addf %add3A_197, %mul3A_201 : vector<2048x128xf32>
    %slice3A_203 = vector.extract_strided_slice %get3A_12 {offsets = [8, 5], sizes = [2048, 1], strides = [1, 1]} : vector<2064x16xf32> to vector<2048x1xf32>
    %slice3A_204 = vector.extract_strided_slice %add3A_175 {offsets = [5, 0], sizes = [2048, 128], strides = [1, 1]} : vector<2056x128xf32> to vector<2048x128xf32>
    %mul3A_205 = vector.broadcast %slice3A_203 : vector<2048x1xf32> to vector<2048x128xf32>
    %mul3A_206 = arith.mulf %mul3A_205, %slice3A_204 : vector<2048x128xf32>
    %add3A_207 = arith.addf %add3A_202, %mul3A_206 : vector<2048x128xf32>
    %slice3A_208 = vector.extract_strided_slice %get3A_12 {offsets = [8, 6], sizes = [2048, 1], strides = [1, 1]} : vector<2064x16xf32> to vector<2048x1xf32>
    %slice3A_209 = vector.extract_strided_slice %add3A_175 {offsets = [6, 0], sizes = [2048, 128], strides = [1, 1]} : vector<2056x128xf32> to vector<2048x128xf32>
    %mul3A_210 = vector.broadcast %slice3A_208 : vector<2048x1xf32> to vector<2048x128xf32>
    %mul3A_211 = arith.mulf %mul3A_210, %slice3A_209 : vector<2048x128xf32>
    %add3A_212 = arith.addf %add3A_207, %mul3A_211 : vector<2048x128xf32>
    %slice3A_213 = vector.extract_strided_slice %get3A_12 {offsets = [8, 7], sizes = [2048, 1], strides = [1, 1]} : vector<2064x16xf32> to vector<2048x1xf32>
    %slice3A_214 = vector.extract_strided_slice %add3A_175 {offsets = [7, 0], sizes = [2048, 128], strides = [1, 1]} : vector<2056x128xf32> to vector<2048x128xf32>
    %mul3A_215 = vector.broadcast %slice3A_213 : vector<2048x1xf32> to vector<2048x128xf32>
    %mul3A_216 = arith.mulf %mul3A_215, %slice3A_214 : vector<2048x128xf32>
    %add3A_217 = arith.addf %add3A_212, %mul3A_216 : vector<2048x128xf32>
    %slice3A_218 = vector.extract_strided_slice %get3A_12 {offsets = [8, 8], sizes = [2048, 1], strides = [1, 1]} : vector<2064x16xf32> to vector<2048x1xf32>
    %slice3A_219 = vector.extract_strided_slice %add3A_175 {offsets = [8, 0], sizes = [2048, 128], strides = [1, 1]} : vector<2056x128xf32> to vector<2048x128xf32>
    %mul3A_220 = vector.broadcast %slice3A_218 : vector<2048x1xf32> to vector<2048x128xf32>
    %mul3A_221 = arith.mulf %mul3A_220, %slice3A_219 : vector<2048x128xf32>
    %add3A_222 = arith.addf %add3A_217, %mul3A_221 : vector<2048x128xf32>
    %slice3A_223 = vector.extract_strided_slice %add3A_175 {offsets = [4, 0], sizes = [2048, 128], strides = [1, 1]} : vector<2056x128xf32> to vector<2048x128xf32>
    %slice3A_224 = vector.extract_strided_slice %concatenate3A {offsets = [8, 0], sizes = [2048, 128], strides = [1, 1]} : vector<2064x128xf32> to vector<2048x128xf32>
    %get3A_225 = arith.constant 0 : index
    %get3A_226 = arith.constant 0 : index
    %get3A_227 = vector.load %arg8[%get3A_225, %get3A_226] : memref<128x128xf32, #tpu.memory_space<vmem>>, vector<128x128xf32>
    %dot_general3A_228 = arith.constant dense<0.000000e+00> : vector<2048x128xf32>
    %dot_general3A_229 = tpu.matmul %add3A_222, %get3A_227, %dot_general3A_228 {dimension_numbers = #tpu.dot_dimension_numbers<[1], [1], [0], [0], [0, 0, 1, 0], [], []>, transpose_lhs_hint = false} : vector<2048x128xf32>, vector<128x128xf32>, vector<2048x128xf32> -> vector<2048x128xf32>
    %get3A_230 = arith.constant 0 : index
    %get3A_231 = arith.constant 0 : index
    %get3A_232 = vector.load %arg9[%get3A_230, %get3A_231] : memref<1x128xf32, #tpu.memory_space<vmem>>, vector<1x128xf32>
    %add3A_233 = vector.broadcast %get3A_232 : vector<1x128xf32> to vector<2048x128xf32>
    %add3A_234 = arith.addf %dot_general3A_229, %add3A_233 : vector<2048x128xf32>
    %get3A_235 = arith.constant 0 : index
    %get3A_236 = arith.constant 0 : index
    %get3A_237 = vector.load %arg10[%get3A_235, %get3A_236] : memref<128x128xf32, #tpu.memory_space<vmem>>, vector<128x128xf32>
    %dot_general3A_238 = arith.constant dense<0.000000e+00> : vector<2048x128xf32>
    %dot_general3A_239 = tpu.matmul %slice3A_223, %get3A_237, %dot_general3A_238 {dimension_numbers = #tpu.dot_dimension_numbers<[1], [1], [0], [0], [0, 0, 1, 0], [], []>, transpose_lhs_hint = false} : vector<2048x128xf32>, vector<128x128xf32>, vector<2048x128xf32> -> vector<2048x128xf32>
    %add3A_240 = arith.addf %add3A_234, %dot_general3A_239 : vector<2048x128xf32>
    %get3A_241 = arith.constant 0 : index
    %get3A_242 = arith.constant 0 : index
    %get3A_243 = vector.load %arg11[%get3A_241, %get3A_242] : memref<128x128xf32, #tpu.memory_space<vmem>>, vector<128x128xf32>
    %dot_general3A_244 = arith.constant dense<0.000000e+00> : vector<2048x128xf32>
    %dot_general3A_245 = tpu.matmul %slice3A_224, %get3A_243, %dot_general3A_244 {dimension_numbers = #tpu.dot_dimension_numbers<[1], [1], [0], [0], [0, 0, 1, 0], [], []>, transpose_lhs_hint = false} : vector<2048x128xf32>, vector<128x128xf32>, vector<2048x128xf32> -> vector<2048x128xf32>
    %add3A_246 = arith.addf %add3A_240, %dot_general3A_245 : vector<2048x128xf32>
    %get3A_247 = arith.constant 0 : index
    %get3A_248 = arith.constant 0 : index
    %get3A_249 = vector.load %arg12[%get3A_247, %get3A_248] : memref<1x128xf32, #tpu.memory_space<vmem>>, vector<1x128xf32>
    %add3A_250 = vector.broadcast %get3A_249 : vector<1x128xf32> to vector<2048x128xf32>
    %add3A_251 = arith.addf %add3A_246, %add3A_250 : vector<2048x128xf32>
    %get3A_252 = arith.constant 0 : index
    %get3A_253 = arith.constant 0 : index
    %get3A_254 = vector.load %arg13[%get3A_252, %get3A_253] : memref<8x128xf32, #tpu.memory_space<vmem>>, vector<8x128xf32>
    %dot_general3A_255 = arith.constant dense<0.000000e+00> : vector<2048x8xf32>
    %dot_general3A_256 = tpu.matmul %add3A_251, %get3A_254, %dot_general3A_255 {dimension_numbers = #tpu.dot_dimension_numbers<[1], [1], [0], [0], [0, 0, 1, 0], [], []>, transpose_lhs_hint = false} : vector<2048x128xf32>, vector<8x128xf32>, vector<2048x8xf32> -> vector<2048x8xf32>
    %get3A_257 = arith.constant 0 : index
    %get3A_258 = arith.constant 0 : index
    %get3A_259 = vector.load %arg14[%get3A_257, %get3A_258] : memref<1x8xf32, #tpu.memory_space<vmem>>, vector<1x8xf32>
    %add3A_260 = vector.broadcast %get3A_259 : vector<1x8xf32> to vector<2048x8xf32>
    %add3A_261 = arith.addf %dot_general3A_256, %add3A_260 : vector<2048x8xf32>
    %swap3A = arith.constant 0 : index
    %swap3A_262 = arith.constant 0 : index
    %swap3A_263 = vector.load %arg15[%swap3A, %swap3A_262] : memref<2048x8xf32, #tpu.memory_space<vmem>>, vector<2048x8xf32>
    tpu.vector_store %arg15[%swap3A, %swap3A_262], %add3A_261 {strides = array<i32>} : memref<2048x8xf32, #tpu.memory_space<vmem>>, vector<2048x8xf32>,
    %iota3A = tpu.iota {dimensions = array<i32: 1>} : vector<2048x8xi32>
    %lt3A = arith.constant 6 : i32
    %lt3A_264 = vector.broadcast %lt3A : i32 to vector<2048x8xi32>
    %lt3A_265 = arith.cmpi slt, %iota3A, %lt3A_264 : vector<2048x8xi32>
    %jit3A = arith.constant -1.000000e+30 : f32
    %broadcast_in_dim3A_266 = vector.broadcast %jit3A : f32 to vector<2048x8xf32>
    %select_n3A = arith.select %lt3A_265, %add3A_261, %broadcast_in_dim3A_266 : vector<2048x8xi1>, vector<2048x8xf32>
    %reduce_max3A = arith.constant dense<0xFF800000> : vector<2048xf32>
    %reduce_max3A_267 = vector.multi_reduction <maximumf>, %select_n3A, %reduce_max3A [1] : vector<2048x8xf32> to vector<2048xf32>
    %broadcast_in_dim3A_268 = vector.shape_cast %reduce_max3A_267 : vector<2048xf32> to vector<2048x1xf32>
    %sub3A_269 = vector.broadcast %broadcast_in_dim3A_268 : vector<2048x1xf32> to vector<2048x8xf32>
    %sub3A_270 = arith.subf %select_n3A, %sub3A_269 : vector<2048x8xf32>
    %exp3A = math.exp %sub3A_270 : vector<2048x8xf32>
    %reduce_sum3A = arith.constant dense<0.000000e+00> : vector<2048xf32>
    %reduce_sum3A_271 = vector.multi_reduction <add>, %exp3A, %reduce_sum3A [1] : vector<2048x8xf32> to vector<2048xf32>
    %broadcast_in_dim3A_272 = vector.shape_cast %reduce_sum3A_271 : vector<2048xf32> to vector<2048x1xf32>
    %log3A = math.log %broadcast_in_dim3A_272 : vector<2048x1xf32>
    %add3A_273 = arith.addf %broadcast_in_dim3A_268, %log3A : vector<2048x1xf32>
    %slice3A_274 = vector.extract_strided_slice %get3A_12 {offsets = [8, 10], sizes = [2048, 1], strides = [1, 1]} : vector<2064x16xf32> to vector<2048x1xf32>
    %convert_element_type3A = arith.fptosi %slice3A_274 : vector<2048x1xf32> to vector<2048x1xi32>
    %slice3A_275 = vector.extract_strided_slice %get3A_12 {offsets = [8, 11], sizes = [2048, 1], strides = [1, 1]} : vector<2064x16xf32> to vector<2048x1xf32>
    %eq3A = vector.broadcast %convert_element_type3A : vector<2048x1xi32> to vector<2048x8xi32>
    %eq3A_276 = arith.cmpi eq, %iota3A, %eq3A : vector<2048x8xi32>
    %jit3A_277 = arith.constant 0.000000e+00 : f32
    %broadcast_in_dim3A_278 = vector.broadcast %jit3A_277 : f32 to vector<2048x8xf32>
    %select_n3A_279 = arith.select %eq3A_276, %add3A_261, %broadcast_in_dim3A_278 : vector<2048x8xi1>, vector<2048x8xf32>
    %reduce_sum3A_280 = arith.constant dense<0.000000e+00> : vector<2048xf32>
    %reduce_sum3A_281 = vector.multi_reduction <add>, %select_n3A_279, %reduce_sum3A_280 [1] : vector<2048x8xf32> to vector<2048xf32>
    %broadcast_in_dim3A_282 = vector.shape_cast %reduce_sum3A_281 : vector<2048xf32> to vector<2048x1xf32>
    %sub3A_283 = arith.subf %add3A_273, %broadcast_in_dim3A_282 : vector<2048x1xf32>
    %mul3A_284 = arith.mulf %slice3A_275, %sub3A_283 : vector<2048x1xf32>
    %reduce_sum3A_285 = vector.shape_cast %mul3A_284 : vector<2048x1xf32> to vector<1x2048x1xf32>
    %reduce_sum3A_286 = arith.constant dense<0.000000e+00> : vector<1xf32>
    %reduce_sum3A_287 = vector.multi_reduction <add>, %reduce_sum3A_285, %reduce_sum3A_286 [1, 2] : vector<1x2048x1xf32> to vector<1xf32>
    %reduce_sum3A_288 = vector.shape_cast %reduce_sum3A_287 : vector<1xf32> to vector<1x1x1xf32>
    %reduce_sum3A_289 = vector.extract %reduce_sum3A_288[0, 0, 0] : f32 from vector<1x1x1xf32>
    %mul3A_290 = arith.constant 5.02512557E-5 : f32
    %mul3A_291 = arith.mulf %reduce_sum3A_289, %mul3A_290 : f32
    %eq3A_292 = arith.constant 0 : i32
    %eq3A_293 = arith.cmpi eq, %arg0, %eq3A_292 : i32
    %convert_element_type3A_294 = arith.extui %eq3A_293 : i1 to i32
    %cond3A = arith.constant 0 : i32
    %cond3A_295 = arith.cmpi ne, %convert_element_type3A_294, %cond3A : i32
    scf.if %cond3A_295 {
      %swap3A_300 = arith.constant 0 : index
      %swap3A_301 = arith.constant 0 : index
      %swap3A_302 = memref.load %arg16[%swap3A_300, %swap3A_301] : memref<1x1xf32, #tpu.memory_space<smem>>
      memref.store %mul3A_291, %arg16[%swap3A_300, %swap3A_301] : memref<1x1xf32, #tpu.memory_space<smem>>
    } else {
    }
    %gt3A = arith.constant 0 : i32
    %gt3A_296 = arith.cmpi sgt, %arg0, %gt3A : i32
    %convert_element_type3A_297 = arith.extui %gt3A_296 : i1 to i32
    %cond3A_298 = arith.constant 0 : i32
    %cond3A_299 = arith.cmpi ne, %convert_element_type3A_297, %cond3A_298 : i32
    scf.if %cond3A_299 {
      %get3A_300 = arith.constant 0 : index
      %get3A_301 = arith.constant 0 : index
      %get3A_302 = memref.load %arg16[%get3A_300, %get3A_301] : memref<1x1xf32, #tpu.memory_space<smem>>
      %add3A_303 = arith.addf %get3A_302, %mul3A_291 : f32
      %swap3A_304 = arith.constant 0 : index
      %swap3A_305 = arith.constant 0 : index
      %swap3A_306 = memref.load %arg16[%swap3A_304, %swap3A_305] : memref<1x1xf32, #tpu.memory_space<smem>>
      memref.store %add3A_303, %arg16[%swap3A_304, %swap3A_305] : memref<1x1xf32, #tpu.memory_space<smem>>
    } else {
    }
    return
  }
  func.func @transform_0(%arg0: i32) -> (i32, i32) {
    %sub3A = arith.constant 1 : i32
    %sub3A_0 = arith.subi %arg0, %sub3A : i32
    %max3A = arith.constant 0 : i32
    %max3A_1 = arith.maxsi %sub3A_0, %max3A : i32
    %c0_i32 = arith.constant 0 : i32
    %c0_i32_2 = arith.constant 0 : i32
    return %max3A_1, %c0_i32 : i32, i32
  }
  func.func @transform_1(%arg0: i32) -> (i32, i32) {
    %c0_i32 = arith.constant 0 : i32
    %c0_i32_0 = arith.constant 0 : i32
    return %arg0, %c0_i32 : i32, i32
  }
  func.func @transform_2(%arg0: i32) -> (i32, i32) {
    %add3A = arith.constant 1 : i32
    %add3A_0 = arith.addi %arg0, %add3A : i32
    %min3A = arith.constant 9 : i32
    %min3A_1 = arith.minsi %add3A_0, %min3A : i32
    %c0_i32 = arith.constant 0 : i32
    %c0_i32_2 = arith.constant 0 : i32
    return %min3A_1, %c0_i32 : i32, i32
  }
  func.func @transform_3(%arg0: i32) -> (i32, i32, i32) {
    %c0_i32 = arith.constant 0 : i32
    %c0_i32_0 = arith.constant 0 : i32
    %c0_i32_1 = arith.constant 0 : i32
    return %arg0, %c0_i32, %c0_i32_0 : i32, i32, i32
  }
  func.func @transform_4(%arg0: i32) -> (i32, i32, i32) {
    %c0_i32 = arith.constant 0 : i32
    %c0_i32_0 = arith.constant 0 : i32
    %c0_i32_1 = arith.constant 0 : i32
    %c0_i32_2 = arith.constant 0 : i32
    return %c0_i32, %c0_i32_0, %c0_i32_1 : i32, i32, i32
  }
  func.func @transform_5(%arg0: i32) -> (i32, i32) {
    %c0_i32 = arith.constant 0 : i32
    %c0_i32_0 = arith.constant 0 : i32
    %c0_i32_1 = arith.constant 0 : i32
    return %c0_i32, %c0_i32_0 : i32, i32
  }
  func.func @transform_6(%arg0: i32) -> (i32, i32) {
    %c0_i32 = arith.constant 0 : i32
    %c0_i32_0 = arith.constant 0 : i32
    %c0_i32_1 = arith.constant 0 : i32
    return %c0_i32, %c0_i32_0 : i32, i32
  }
  func.func @transform_7(%arg0: i32) -> (i32, i32) {
    %c0_i32 = arith.constant 0 : i32
    %c0_i32_0 = arith.constant 0 : i32
    %c0_i32_1 = arith.constant 0 : i32
    return %c0_i32, %c0_i32_0 : i32, i32
  }
  func.func @transform_8(%arg0: i32) -> (i32, i32) {
    %c0_i32 = arith.constant 0 : i32
    %c0_i32_0 = arith.constant 0 : i32
    %c0_i32_1 = arith.constant 0 : i32
    return %c0_i32, %c0_i32_0 : i32, i32
  }
  func.func @transform_9(%arg0: i32) -> (i32, i32) {
    %c0_i32 = arith.constant 0 : i32
    %c0_i32_0 = arith.constant 0 : i32
    %c0_i32_1 = arith.constant 0 : i32
    return %c0_i32, %c0_i32_0 : i32, i32
  }
  func.func @transform_10(%arg0: i32) -> (i32, i32) {
    %c0_i32 = arith.constant 0 : i32
    %c0_i32_0 = arith.constant 0 : i32
    %c0_i32_1 = arith.constant 0 : i32
    return %c0_i32, %c0_i32_0 : i32, i32
  }
  func.func @transform_11(%arg0: i32) -> (i32, i32) {
    %c0_i32 = arith.constant 0 : i32
    %c0_i32_0 = arith.constant 0 : i32
    %c0_i32_1 = arith.constant 0 : i32
    return %c0_i32, %c0_i32_0 : i32, i32
  }
  func.func @transform_12(%arg0: i32) -> (i32, i32) {
    %c0_i32 = arith.constant 0 : i32
    %c0_i32_0 = arith.constant 0 : i32
    %c0_i32_1 = arith.constant 0 : i32
    return %c0_i32, %c0_i32_0 : i32, i32
  }
  func.func @transform_13(%arg0: i32) -> (i32, i32) {
    %c0_i32 = arith.constant 0 : i32
    %c0_i32_0 = arith.constant 0 : i32
    %c0_i32_1 = arith.constant 0 : i32
    return %c0_i32, %c0_i32_0 : i32, i32
  }
  func.func @transform_14(%arg0: i32) -> (i32, i32) {
    %c0_i32 = arith.constant 0 : i32
    %c0_i32_0 = arith.constant 0 : i32
    return %arg0, %c0_i32 : i32, i32
  }
  func.func @transform_15(%arg0: i32) -> (i32, i32) {
    %c0_i32 = arith.constant 0 : i32
    %c0_i32_0 = arith.constant 0 : i32
    %c0_i32_1 = arith.constant 0 : i32
    return %c0_i32, %c0_i32_0 : i32, i32
  }
}

</mosaic_0001>

<sc_bundles>
// kernel: gather_offload_async_start.1
scs
__scs_entry_jumppad:
0x0: {  	(pc) =	sbr.rel $0x88, $3  }
0x1: {  	(tag) =	ssettag $0x0;
	lr =	simm.s32 $0x1  }
0x2: {  	[smem:$0x3F94] =	sst lr;
	_ =	strace $0xD0000000  }
0x3: {  	_ = 	snop  }
0x4: {  	_ = 	snop  }
0x5: {  	_ = 	snop  }
0x6: {  	_ = 	snop  }
0x7: {  	_ = 	snop  }
__scs_overlays_trampoline_lowered:
0x8: {  	[smem:$0x3FA3] =	sst s0  }
0x9: {  	[smem:$0x3FA4] =	sst s1  }
0xa: {  	[smem:$0x3FA5] =	sst s2  }
0xb: {  	[smem:$0x3FA6] =	sst s3  }
0xc: {  	[smem:$0x3FA7] =	sst s4  }
0xd: {  	[smem:$0x3FA8] =	sst s5  }
0xe: {  	[smem:$0x3FA9] =	sst s6  }
0xf: {  	[smem:$0x3FAA] =	sst s7  }
0x10: {  	[smem:$0x3FAB] =	sst s8  }
0x11: {  	[smem:$0x3FAC] =	sst s9;
	s0 =	simm.s32 @!p0 $0x0  }
0x12: {  	s1 =	sld [smem:$0x3F92];
	s0 =	simm.s32 @p0 $0x1  }
0x13: {  	[smem:$0x3FAD] =	sst s0;
	s0 =	simm.s32 @!p1 $0x0  }
0x14: {  	s2 =	sld [smem:$0x3F91];
	s0 =	simm.s32 @p1 $0x1  }
0x15: {  	[smem:$0x3FAE] =	sst s0;
	s0 =	simm.s32 @!p2 $0x0  }
0x16: {  	s3 =	sld [smem:$0x3FDB];
	s0 =	simm.s32 @p2 $0x1  }
0x17: {  	s4 =	simm.s32 $0x1BF5;
	[smem:$0x3FB0] =	sst s0  }
0x18: {  	s0 =	sld [smem:$0x3F93];
	_ =	swait.ge [sflag:s4], $0x0  }
0x19: {  	s7 =	sld [smem:$0x3F94]  }
0x1a: {  	s8 =	sadd.s32 $0xFFFFE003, lr  }
0x1b: {  	s9 =	sadd.s32 $0xFFFFFEF7, lr;
	s5 =	simm.s32 $0xFFFFFFFF;
	p2 =	slt.u32 s8, $0xFFFFF086  }
0x1c: {  	p1 =	slt.u32 s9, $0xF7A;
	s5 =	simm.s32 @!p2 $0x0  }
0x1d: {  	s5 =	simm.s32 @p1 $0x1;
	p0 =	seq.s32 s7, s2  }
0x1e: {  	s7 =	smul.u32 @!p0 $0xF7A, s2;
	p2 =	seq.s32 @!p0 s5, $0x0  }
0x1f: {  	s9 =	smul.u32 $0xF7A, s1;
	s8 =	simm.s32 @!p0 $0x1BF5;
	p2 =	por !p2, p0  }
0x20: {  	[sflag:s8] =	ssyncset.s32 @!p0 $0xFFFFF086;
	s6 =	sadd.s32 @!p0 s3, s7;
	s7 =	simm.s32 @!p0 $0x108  }
0x21: {  	s3 =	sadd.s32 s3, s9;
	s6 =	sadd.s32 @!p0 $0x88, s6;
	s7 =	simm.s32 @p2 $0x1082  }
0x22: {  	[simem:s7], [sflag:s8] =	dma.local @!p0 [hbm:s6], $0xF7A  }
0x23: {  	s9 =	sor.u32 $0xD0000000, s2;
	s6 =	simm.s32 $0x108;
	_ =	swait.ge @!p0 [sflag:s8], $0x0  }
0x24: {  	s3 =	sadd.s32 $0x88, s3;
	s6 =	simm.s32 @!p1 $0x1082;
	[sflag:s4] =	ssyncset.s32 $0xFFFFF086  }
0x25: {  	[simem:s6], [sflag:s4] =	dma.local [hbm:s3], $0xF7A  }
0x26: {  	[smem:$0x3F94] =	sst s1;
	(tag) =	ssettag s2;
	_ =	strace s9  }
0x27: {  	s1 =	sld [smem:$0x3FA4]  }
0x28: {  	s2 =	sld [smem:$0x3FA5]  }
0x29: {  	s4 =	sld [smem:$0x3FA7]  }
0x2a: {  	p0 =	seq.s32 s5, $0x0;
	s5 =	sld [smem:$0x3FA8]  }
0x2b: {  	s6 =	sld [smem:$0x3FA9]  }
0x2c: {  	s7 =	sld [smem:$0x3FAA]  }
0x2d: {  	s3 =	simm.s32 $0x108;
	s8 =	sld [smem:$0x3FAB]  }
0x2e: {  	s3 =	simm.s32 @!p0 $0x1082;
	s9 =	sld [smem:$0x3FAC]  }
0x2f: {  	lr =	sadd.s32 s0, s3;
	s0 =	sld [smem:$0x3FA3]  }
0x30: {  	s3 =	sld [smem:$0x3FA6]  }
0x31: {  	[smem:$0x3FAF] =	sst s10  }
0x32: {  	s10 =	sld [smem:$0x3FAD];
	_ =	sdelay $0x3  }
0x33: {  	p0 =	seq.s32 s10, $0x1;
	s10 =	sld [smem:$0x3FAF];
	_ =	sdelay $0x3  }
0x34: {  	[smem:$0x3FAF] =	sst s10  }
0x35: {  	s10 =	sld [smem:$0x3FAE];
	_ =	sdelay $0x3  }
0x36: {  	p1 =	seq.s32 s10, $0x1;
	s10 =	sld [smem:$0x3FAF];
	_ =	sdelay $0x3  }
0x37: {  	[smem:$0x3FAF] =	sst s10  }
0x38: {  	s10 =	sld [smem:$0x3FB0]  }
0x39: {  	_ = 	snop;
	(pc) =	sbr.ind lr, $3  }
0x3a: {  	_ = 	snop  }
0x3b: {  	_ = 	snop  }
0x3c: {  	p2 =	seq.s32 s10, $0x1;
	s10 =	sld [smem:$0x3FAF]  }
0x3d: {  	_ =	shalt  }
0x3e: {  	_ =	shalt  }
0x3f: {  	_ =	shalt  }
0x40: {  	_ =	shalt  }
0x41: {  	_ =	shalt  }
0x42: {  	_ =	shalt  }
0x43: {  	_ =	shalt  }
0x44: {  	_ =	shalt  }
0x45: {  	_ =	shalt  }
0x46: {  	_ =	shalt  }
0x47: {  	_ =	shalt  }
0x48: {  	_ =	shalt  }
0x49: {  	_ =	shalt  }
0x4a: {  	_ =	shalt  }
0x4b: {  	_ =	shalt  }
0x4c: {  	_ =	shalt  }
0x4d: {  	_ =	shalt  }
0x4e: {  	_ =	shalt  }
0x4f: {  	_ =	shalt  }
0x50: {  	_ =	shalt  }
0x51: {  	_ =	shalt  }
0x52: {  	_ =	shalt  }
0x53: {  	_ =	shalt  }
0x54: {  	_ =	shalt  }
0x55: {  	_ =	shalt  }
0x56: {  	_ =	shalt  }
0x57: {  	_ =	shalt  }
0x58: {  	_ =	shalt  }
0x59: {  	_ =	shalt  }
0x5a: {  	_ =	shalt  }
0x5b: {  	_ =	shalt  }
0x5c: {  	_ =	shalt  }
0x5d: {  	_ =	shalt  }
0x5e: {  	_ =	shalt  }
0x5f: {  	_ =	shalt  }
0x60: {  	_ =	shalt  }
0x61: {  	_ =	shalt  }
0x62: {  	_ =	shalt  }
0x63: {  	_ =	shalt  }
0x64: {  	_ =	shalt  }
0x65: {  	_ =	shalt  }
0x66: {  	_ =	shalt  }
0x67: {  	_ =	shalt  }
0x68: {  	_ =	shalt  }
0x69: {  	_ =	shalt  }
0x6a: {  	_ =	shalt  }
0x6b: {  	_ =	shalt  }
0x6c: {  	_ =	shalt  }
0x6d: {  	_ =	shalt  }
0x6e: {  	_ =	shalt  }
0x6f: {  	_ =	shalt  }
0x70: {  	_ =	shalt  }
0x71: {  	_ =	shalt  }
0x72: {  	_ =	shalt  }
0x73: {  	_ =	shalt  }
0x74: {  	_ =	shalt  }
0x75: {  	_ =	shalt  }
0x76: {  	_ =	shalt  }
0x77: {  	_ =	shalt  }
0x78: {  	_ =	shalt  }
0x79: {  	_ =	shalt  }
0x7a: {  	_ =	shalt  }
0x7b: {  	_ =	shalt  }
0x7c: {  	_ =	shalt  }
0x7d: {  	_ =	shalt  }
0x7e: {  	_ =	shalt  }
0x7f: {  	_ =	shalt  }
0x80: {  	_ =	shalt  }
0x81: {  	_ =	shalt  }
0x82: {  	_ =	shalt  }
0x83: {  	_ =	shalt  }
0x84: {  	_ =	shalt  }
0x85: {  	_ =	shalt  }
0x86: {  	_ =	shalt  }
0x87: {  	_ =	shalt  }
.Lfunc_end0:
.L_simem_size_0:
called_computation.1_lowered:
.L_overlay_start_0:
0x88: {  	s2 =	sld [smem:$0x3FD9]  }
0x89: {  	s3 =	sld [smem:$0x3FFE];
	_ =	sdelay $0x1  }
0x8a: {  	s1 =	srdreg.scid  }
0x8b: {  	s0 =	sand.u32 $0x1, s1  }
0x8c: {  	s15 =	sshll.u32 s0, $0xA;
	s2 =	sadd.s32 s3, s2  }
0x8d: {  	s2 =	sadd.s32 s2, s15  }
0x8e: {  	[smem:$0x3FBB] =	sst s2  }
0x8f: {  	_ = 	snop  }
0x90: {  	s2 =	sld [smem:$0x3FD0];
	_ =	sdelay $0x2  }
0x91: {  	s16 =	simm.s32 $0xB;
	s4 =	simm.s32 $0x10  }
0x92: {  	[smem:s4], [sflag:s16] =	dma.local [hbm:s2], $0x1  }
0x93: {  	_ =	swait.eq [sflag:s16], $0x1  }
0x94: {  	[sflag:s16] =	ssyncset.done $0x0  }
0x95: {  	[sflag:s16] =	ssyncadd.s32 $0xFFFFFFFF  }
0x96: {  	s17 =	sld [smem:$0x10];
	(tm) =	ssettm $0x1  }
0x97: {  	s18 =	sld [smem:$0x3FFB];
	_ =	sdelay $0x3  }
0x98: {  	_ =	strace s18  }
0x99: {  	s2 =	sld [smem:$0x3FFC];
	_ =	sdelay $0x3  }
0x9a: {  	_ =	strace s2  }
0x9b: {  	s2 =	sld [smem:$0x3FFD];
	_ =	sdelay $0x3  }
0x9c: {  	_ =	strace s2  }
0x9d: {  	_ =	strace $0x8FFFFFFF  }
0x9e: {  	s19 =	sld [smem:$0x3FDB];
	_ =	sdelay $0x1  }
0x9f: {  	s20 =	simm.s32 $_scs_section_size  }
0xa0: {  	s5 =	simm.s32 $_size__tile_overlayer_lowered;
	s6 =	simm.s32 $_tile_overlayer_lowered  }
0xa1: {  	s7 =	simm.s32 $0x1BFF;
	s21 =	sshll.u32 s6, $0x1;
	s4 =	sadd.s32 s20, s19  }
0xa2: {  	s22 =	simm.s32 $0x0;
	s5 =	sshll.u32 s5, $0x1;
	s6 =	sadd.s32 s21, s4  }
0xa3: {  	[timem:s22], [sflag:s7] =	dma.local [hbm:s6], s5  }
0xa4: {  	_ =	swait.ge [sflag:s7], s5  }
0xa5: {  	s5 =	ssub.s32 $0x0, s5;
	[sflag:s7] =	ssyncset.done $0x0  }
0xa6: {  	[sflag:s7] =	ssyncadd.s32 s5;
	_ =	sdelay $0x1  }
0xa7: {  	s23 =	simm.s32 $0x1B8B  }
0xa8: {  	_ =	swait.ge [sflag:s23], $0x1  }
0xa9: {  	[sflag:s23] =	ssyncset.done $0x0  }
0xaa: {  	[sflag:s23] =	ssyncadd.s32 $0xFFFFFFFF  }
0xab: {  	s5 =	sld [smem:$0x0]  }
0xac: {  	s6 =	sand.u32 $0xFFFFFFFE, s1  }
0xad: {  	p0 =	sne.s32 s1, s6  }
0xae: {  	s6 =	sshll.u32 @p0 s6, $0xE  }
0xaf: {  	s6 =	sadd.s32 @p0 $0x11B8D, s6;
	s7 =	sshll.u32 @p0 s5, $0x11  }
0xb0: {  	s6 =	sor.u32 @p0 s7, s6  }
0xb1: {  	[sflag:s6] =	ssyncadd.remote.s32 @p0 $0x1;
	_ =	sdelay $0x1  }
0xb2: {  	s6 =	simm.s32 @p0 $0x1B8D  }
0xb3: {  	_ =	swait.eq @p0 [sflag:s6], $0x1  }
0xb4: {  	[sflag:s6] =	ssyncadd.s32 @p0 $0xFFFFFFFF  }
0xb5: {  	s7 =	sshll.u32 @!p0 s1, $0xE  }
0xb6: {  	s7 =	sor.u32 @!p0 $0x4000, s7;
	s6 =	simm.s32 @!p0 $0x1B8D  }
0xb7: {  	s5 =	sshll.u32 @!p0 s5, $0x11;
	s7 =	sadd.s32 @!p0 $0x11B8D, s7;
	_ =	swait.eq @!p0 [sflag:s6], $0x1  }
0xb8: {  	s5 =	sor.u32 @!p0 s5, s7;
	[sflag:s6] =	ssyncadd.s32 @!p0 $0xFFFFFFFF  }
0xb9: {  	s25 =	simm.s32 $0x1B8E;
	s24 =	sld [smem:$0x3FFE];
	[sflag:s5] =	ssyncadd.remote.s32 @!p0 $0x1  }
0xba: {  	s26 =	simm.s32 $execute0_lowered;
	[smem:$0x3FD2] =	sst s25  }
0xbb: {  	s6 =	sshll.u32 s26, $0x1;
	_ =	strace $0x80000049;
	[dreg:$0x1] =	wrdreg $0xFFFFFFFF  }
0xbc: {  	s28 =	simm.s32 $_size_execute0_lowered;
	s4 =	sadd.s32 s4, s6;
	[dreg:$0x0] =	wrdreg $0x0  }
0xbd: {  	s6 =	sshll.u32 s28, $0x1;
	[dreg:$0x2] =	wrdreg s4  }
0xbe: {  	[dreg:$0x3] =	wrdreg s6  }
0xbf: {  	[dreg:$0x4] =	wrdreg $0xC0  }
0xc0: {  	_ =	task [dreg:s22], $0x5FFFF  }
0xc1: {  	[dreg:$0x1] =	wrdreg $0xFFFFFFFF  }
0xc2: {  	[dreg:$0x0] =	wrdreg $0x60  }
0xc3: {  	[dreg:$0x2] =	wrdreg s24  }
0xc4: {  	[dreg:$0x3] =	wrdreg s17  }
0xc5: {  	[dreg:$0x4] =	wrdreg $0xA  }
0xc6: {  	_ =	task.clear_ibuf [dreg:s22], $0x5FFFF;
	_ =	strace $0x90000049  }
0xc7: {  	s29 =	simm.s32 $0xA;
	_ =	strace $0x8000004B  }
0xc8: {  	_ =	swait.ge [sflag:s29], $0x1  }
0xc9: {  	[sflag:s29] =	ssyncadd.s32 $0xFFFFFFFF  }
0xca: {  	_ =	strace $0x9000004B  }
0xcb: {  	_ =	sfence  }
0xcc: {  	s30 =	sld [smem:$0x0];
	_ =	sdelay $0x2  }
0xcd: {  	s31 =	sshll.u32 s1, $0xD;
	s1 =	sshrl.u32 s1, $0x2  }
0xce: {  	s4 =	sand.u32 $0x4000, s31;
	s1 =	sadd.s32 s1, s30  }
0xcf: {  	s0 =	sor.u32 s4, s0;
	s1 =	sshll.u32 s1, $0x11  }
0xd0: {  	s0 =	sor.u32 s1, s0  }
0xd1: {  	s0 =	sadd.s32 $0x8F2B, s0  }
0xd2: {  	[sflag:s0] =	ssyncadd.remote.s32 $0x1  }
0xd3: {  	_ =	sfence.sel $0xFFFF  }
0xd4: {  	[dreg:$0x0] =	wrdreg $0xFFFFFFFF;
	(pc) =	sbr.abs _section_cstart, $3  }
0xd5: {  	[dreg:$0x1] =	wrdreg $0xFFFFFFFF  }
0xd6: {  	_ =	task.clear_ibuf [dreg:s22], $0x2FFFF;
	_ =	strace $0x9FFFFFFF  }
0xd7: {  	(tm) =	ssettm $0x7FFFFFFF  }
tec
execute0_lowered:
.L_overlay_start_1:
0x0: {  	(tag) =	ssettag $0x1  }
0x1: {  	s0 =	stileid.u32;
	s1 =	srdreg.scid  }
0x2: {  	s1 =	sand.u32 $0x1, s1;
	s2 =	sshll.u32 s0, $0x1  }
0x3: {  	s1 =	sor.u32 s2, s1  }
0x4: {  	s2 =	smul.u32 $0xF0, s1;
	_ =	sdelay $0x1  }
0x5: {  	s6 =	ssub.s32 $0x50A0, s2  }
0x6: {  	s8 =	rddreg [dreg:$0x0];
	s31 =	smul.u32 $0x8889, s6  }
0x7: {  	s3 =	rddreg [dreg:$0x1];
	s5 =	simm.s32 $0x1  }
0x8: {  	s10 =	simm.s32 $0x3;
	s13 =	simm.s32 $0x0;
	s7 =	sshrl.u32 s31, $0x1C  }
0x9: {  	s12 =	simm.s32 $0x0;
	s4 =	sadd.s32 $0x4200, s8;
	s9 =	smul.u32 $0x1E00, s7  }
.Ltmp0:
0xa: {  	s8 =	sadd.s32 $0xA6400, s8;
	s1 =	rddreg [dreg:$0x2];
	(pc) =	sbr.rel .LBB2_1-.Ltmp0, $4  }
0xb: {  	_ =	strace $0x8000004A;
	p0 =	sne.s32 s6, s9;
	s9 =	simm.s32 $0x1  }
0xc: {  	[sflag:s5] =	ssyncpa.u1 $0x0;
	s6 =	simm.s32 $0x2;
	s9 =	simm.s32 @!p0 $0x0  }
0xd: {  	s11 =	smov.u32 s2;
	[sflag:s6] =	ssyncpa.u1 $0x0;
	s7 =	sadd.s32 s7, s9  }
0xe: {  	vm0 =	vmmov $0xffff;
	[sflag:s10] =	ssyncpa.u1 $0x0;
	s10 =	simm.s32 $0x0;
	s9 =	sadd.s32 $0x1, s7  }
.LBB2_4:
0xf: {  	v2 =	vnsel vm1, $0x0, v2  }
0x10: {  	vm1 =	vgt.s32 v0, $0x0;
	v2 =	vmin.u32 v2, $0x4DBB  }
0x11: {  	v0 =	vnsel vm1, $0x0, v0  }
0x12: {  	v0 =	vmin.u32 v0, $0x4DBB  }
0x13: {  	[tilespmem:s18], [sflag:$0x1] =	stream.indirect_vreg.gather [hbm4b:s4+s10], $0x1, v1, vm0, $0x4038;
	[tilespmem:$0x3C0] =	vst v63  }
0x14: {  	(ifvalue) =	ssetifvalue $0x7FFFFFFF  }
0x15: {  	[tilespmem:s15], [sflag:$0x1] =	stream.indirect_vreg.gather [hbm4b:s4+s10], $0x1, v2, vm0, $0x4038;
	[tilespmem:$0x3C0] =	vst v63  }
0x16: {  	s29 =	sadd.s32 $0x10, s15;
	(ifvalue) =	ssetifvalue $0x7FFFFFFF  }
0x17: {  	[tilespmem:s29], [sflag:$0x1] =	stream.indirect_vreg.gather [hbm4b:s4+s10], $0x1, v0, vm0, $0x4038;
	[tilespmem:$0x3C0] =	vst v63  }
0x18: {  	_ =	swait.ge [sflag:s5], $0xF0  }
0x19: {  	s30 =	sshrl.u32 s13, $0x3;
	[sflag:s5] =	ssyncset.done $0x0  }
0x1a: {  	s31 =	sand.u32 $0x7, s13;
	s15 =	sadd.s32 s8, s30;
	[sflag:s5] =	ssyncadd.s32 $0xFFFFFF10  }
0x1b: {  	[hbm4b:s15+s31] =	stream.linear.scatter [tilespmem:s14], [sflag:$0x3], $0xF0, $0x38;
	[tilespmem:$0x3C0] =	vst v63  }
.LBB2_5:
0x1c: {  	s15 =	sadd.s32 $0x1E00, s11  }
0x1d: {  	p1 =	sgt.s32 s15, $0x509F  }
0x1e: {  	s15 =	smov.u32 @p1 s2;
	p1 =	sne.s32 s12, s9  }
.Ltmp1:
0x1f: {  	p0 =	slt.u32 s12, $0x2;
	(pc) =	sbr.rel @!p1 .LBB2_6-.Ltmp1, $4  }
0x20: {  	s14 =	simm.s32 @!p0 $0x3  }
0x21: {  	_ =	swait.ge @!p0 [sflag:s14], $0xF0  }
0x22: {  	s16 =	sadd.s32 $0x1, s12;
	s13 =	smov.u32 s11;
	[sflag:s14] =	ssyncset.done @!p0 $0x0  }
0x23: {  	s12 =	smov.u32 s16;
	s11 =	smov.u32 s15;
	[sflag:s14] =	ssyncadd.s32 @!p0 $0xFFFFFF10  }
.LBB2_1:
0x24: {  	p0 =	sge.u32 s12, s7  }
0x25: {  	s14 =	sxor.u32 @!p0 $0xFFFFFFFF, s12  }
0x26: {  	s14 =	sand.u32 @!p0 $0x1, s14  }
0x27: {  	s14 =	smul.u32 @!p0 $0x3C0, s14  }
0x28: {  	s31 =	sadd.s32 $0xFFFFFFFF, s12;
	s15 =	sshrl.u32 @!p0 s11, $0x3  }
0x29: {  	s16 =	sand.u32 @!p0 $0x7, s11;
	s15 =	sadd.s32 @!p0 s3, s15;
	s14 =	sshrl.u32 @!p0 s14, $0x2  }
0x2a: {  	[tilespmem:s14], [sflag:$0x2] =	stream.linear.gather @!p0 [hbm4b:s15+s16], $0xF0, $0x38;
	[tilespmem:$0x3C0] =	vst v63  }
0x2b: {  	p0 =	sge.u32 s31, s7  }
.Ltmp2:
0x2c: {  	_ = 	snop;
	(pc) =	sbr.rel @p0 .LBB2_5-.Ltmp2, $1  }
0x2d: {  	_ =	sdelay $0x3  }
0x2e: {  	s14 =	sand.u32 $0x1, s12  }
0x2f: {  	_ =	swait.ge [sflag:s6], $0xF0;
	p0 =	seq.s32 s14, $0x1;
	s14 =	simm.s32 $0xF0  }
0x30: {  	[sflag:s6] =	ssyncset.done $0x0;
	s14 =	simm.s32 @!p0 $0x0  }
0x31: {  	[sflag:s6] =	ssyncadd.s32 $0xFFFFFF10;
	(ifvalue) =	ssetifvalue $0x7FFFFFFF;
	v0 =	vld.msk [tilespmem:s14+$0x0 ss:$0x1], $0xffff;
	_ =	sdelay $0x4  }
0x32: {  	s15 =	sadd.s32 $0x10, s14;
	vm1 =	vgt.s32 v0, $0x0  }
0x33: {  	v2 =	vld.msk [tilespmem:s15+$0x0 ss:$0x1], $0xffff;
	v1 =	vnsel vm1, $0x0, v0  }
0x34: {  	v1 =	vmin.u32 v1, $0x4DBB;
	_ =	sdelay $0x2  }
0x35: {  	s17 =	simm.s32 $0x20;
	s14 =	sadd.s32 $0x1E0, s14;
	s16 =	sadd.s32 $0x10, s15  }
0x36: {  	s15 =	sadd.s32 $0x10, s14;
	s18 =	smov.u32 s14;
	v0 =	vld.msk [tilespmem:s16+$0x0 ss:$0x1], $0xffff;
	vm1 =	vgt.s32 v2, $0x0;
	(ifvalue) =	ssetifvalue $0x7FFFFFFF  }
.LBB2_3:
0x37: {  	[tilespmem:s18], [sflag:$0x1] =	stream.indirect_vreg.gather [hbm4b:s4+s10], $0x1, v1, vm0, $0x4038;
	[tilespmem:$0x3C0] =	vst v63  }
0x38: {  	s17 =	sadd.s32 $0x10, s17  }
0x39: {  	v2 =	vnsel vm1, $0x0, v2;
	p0 =	slt.u32 s17, $0xE0  }
.Ltmp3:
0x3a: {  	s18 =	smov.u32 s15;
	v1 =	vmin.u32 v2, $0x4DBB;
	(pc) =	sbr.rel @p0 .LBB2_3-.Ltmp3, $3  }
0x3b: {  	_ =	sdelay $0x1  }
0x3c: {  	s16 =	sadd.s32 $0x10, s16  }
0x3d: {  	vm1 =	vgt.s32 v0, $0x0;
	s15 =	sadd.s32 $0x10, s15;
	v2 =	vmov v0;
	(ifvalue) =	ssetifvalue $0x7FFFFFFF;
	v0 =	vld.msk [tilespmem:s16+$0x0 ss:$0x1], $0xffff  }
.Ltmp4:
0x3e: {  	_ = 	snop;
	(pc) =	sbr.rel .LBB2_4-.Ltmp4, $1  }
0x3f: {  	_ =	sdelay $0x3  }
.LBB2_6:
0x40: {  	_ =	sfence.sel $0x180000  }
0x41: {  	s2 =	simm.s32 $0x2;
	[bflag:$0x0] =	sbarrier.arrive $0xFFFF  }
0x42: {  	s30 =	simm.s32 $0x3;
	[sflag:s2] =	ssyncpa.u1 $0x1  }
0x43: {  	s31 =	simm.s32 $0x1;
	[sflag:s30] =	ssyncpa.u1 $0x1  }
0x44: {  	[sflag:s31] =	ssyncpa.u1 $0x1  }
0x45: {  	p0 =	sne.s32 s0, $0x0;
	_ =	strace $0x9000004A  }
0x46: {  	s0 =	sadd.s32 @!p0 $0x100000, s1;
	[bflag:$0x2] =	sbarrier.arrive $0xFFFF  }
0x47: {  	[sflag:s0] =	ssyncadd.tile.s32 @!p0 $0x1;
	_ =	shalt  }
.Lfunc_end2:
_tile_overlayer_lowered:
.L_overlay_start_2:
0x48: {  	(tag) =	ssettag $0x2  }
0x49: {  	s0 =	rddreg [dreg:$0x0];
	s2 =	stileid.u32  }
0x4a: {  	s1 =	rddreg [dreg:$0x1];
	p0 =	sne.s32 s2, $0x0  }
0x4b: {  	s3 =	rddreg [dreg:$0x2];
	[bflag:$0x3] =	sbarrier.arrive $0xFFFF;
	s2 =	simm.s32 @!p0 $0x1C01  }
0x4c: {  	[timem:s3], [sflag:s2] =	dma.local @!p0 [hbm:s0], s1  }
0x4d: {  	s0 =	simm.s32 @!p0 $0x1  }
0x4e: {  	_ =	swait.ge @!p0 [sflag:s0], s1  }
0x4f: {  	s1 =	ssub.s32 @!p0 $0x0, s1;
	[sflag:s0] =	ssyncset.done @!p0 $0x0  }
0x50: {  	[sflag:s0] =	ssyncadd.s32 @!p0 s1  }
0x51: {  	[bflag:$0x3] =	sbarrier.arrive $0xFFFF  }
0x52: {  	_ =	shalt  }

// kernel: gather_offload_async_start
scs
__scs_entry_jumppad:
0x0: {  	(pc) =	sbr.rel $0x88, $3  }
0x1: {  	(tag) =	ssettag $0x0;
	lr =	simm.s32 $0x1  }
0x2: {  	[smem:$0x3F94] =	sst lr;
	_ =	strace $0xD0000000  }
0x3: {  	_ = 	snop  }
0x4: {  	_ = 	snop  }
0x5: {  	_ = 	snop  }
0x6: {  	_ = 	snop  }
0x7: {  	_ = 	snop  }
__scs_overlays_trampoline_lowered:
0x8: {  	[smem:$0x3FA3] =	sst s0  }
0x9: {  	[smem:$0x3FA4] =	sst s1  }
0xa: {  	[smem:$0x3FA5] =	sst s2  }
0xb: {  	[smem:$0x3FA6] =	sst s3  }
0xc: {  	[smem:$0x3FA7] =	sst s4  }
0xd: {  	[smem:$0x3FA8] =	sst s5  }
0xe: {  	[smem:$0x3FA9] =	sst s6  }
0xf: {  	[smem:$0x3FAA] =	sst s7  }
0x10: {  	[smem:$0x3FAB] =	sst s8  }
0x11: {  	[smem:$0x3FAC] =	sst s9;
	s0 =	simm.s32 @!p0 $0x0  }
0x12: {  	s1 =	sld [smem:$0x3F92];
	s0 =	simm.s32 @p0 $0x1  }
0x13: {  	[smem:$0x3FAD] =	sst s0;
	s0 =	simm.s32 @!p1 $0x0  }
0x14: {  	s2 =	sld [smem:$0x3F91];
	s0 =	simm.s32 @p1 $0x1  }
0x15: {  	[smem:$0x3FAE] =	sst s0;
	s0 =	simm.s32 @!p2 $0x0  }
0x16: {  	s3 =	sld [smem:$0x3FDB];
	s0 =	simm.s32 @p2 $0x1  }
0x17: {  	s4 =	simm.s32 $0x1BF5;
	[smem:$0x3FB0] =	sst s0  }
0x18: {  	s0 =	sld [smem:$0x3F93];
	_ =	swait.ge [sflag:s4], $0x0  }
0x19: {  	s7 =	sld [smem:$0x3F94]  }
0x1a: {  	s8 =	sadd.s32 $0xFFFFE003, lr  }
0x1b: {  	s9 =	sadd.s32 $0xFFFFFEF7, lr;
	s5 =	simm.s32 $0xFFFFFFFF;
	p2 =	slt.u32 s8, $0xFFFFF086  }
0x1c: {  	p1 =	slt.u32 s9, $0xF7A;
	s5 =	simm.s32 @!p2 $0x0  }
0x1d: {  	s5 =	simm.s32 @p1 $0x1;
	p0 =	seq.s32 s7, s2  }
0x1e: {  	s7 =	smul.u32 @!p0 $0xF7A, s2;
	p2 =	seq.s32 @!p0 s5, $0x0  }
0x1f: {  	s9 =	smul.u32 $0xF7A, s1;
	s8 =	simm.s32 @!p0 $0x1BF5;
	p2 =	por !p2, p0  }
0x20: {  	[sflag:s8] =	ssyncset.s32 @!p0 $0xFFFFF086;
	s6 =	sadd.s32 @!p0 s3, s7;
	s7 =	simm.s32 @!p0 $0x108  }
0x21: {  	s3 =	sadd.s32 s3, s9;
	s6 =	sadd.s32 @!p0 $0x88, s6;
	s7 =	simm.s32 @p2 $0x1082  }
0x22: {  	[simem:s7], [sflag:s8] =	dma.local @!p0 [hbm:s6], $0xF7A  }
0x23: {  	s9 =	sor.u32 $0xD0000000, s2;
	s6 =	simm.s32 $0x108;
	_ =	swait.ge @!p0 [sflag:s8], $0x0  }
0x24: {  	s3 =	sadd.s32 $0x88, s3;
	s6 =	simm.s32 @!p1 $0x1082;
	[sflag:s4] =	ssyncset.s32 $0xFFFFF086  }
0x25: {  	[simem:s6], [sflag:s4] =	dma.local [hbm:s3], $0xF7A  }
0x26: {  	[smem:$0x3F94] =	sst s1;
	(tag) =	ssettag s2;
	_ =	strace s9  }
0x27: {  	s1 =	sld [smem:$0x3FA4]  }
0x28: {  	s2 =	sld [smem:$0x3FA5]  }
0x29: {  	s4 =	sld [smem:$0x3FA7]  }
0x2a: {  	p0 =	seq.s32 s5, $0x0;
	s5 =	sld [smem:$0x3FA8]  }
0x2b: {  	s6 =	sld [smem:$0x3FA9]  }
0x2c: {  	s7 =	sld [smem:$0x3FAA]  }
0x2d: {  	s3 =	simm.s32 $0x108;
	s8 =	sld [smem:$0x3FAB]  }
0x2e: {  	s3 =	simm.s32 @!p0 $0x1082;
	s9 =	sld [smem:$0x3FAC]  }
0x2f: {  	lr =	sadd.s32 s0, s3;
	s0 =	sld [smem:$0x3FA3]  }
0x30: {  	s3 =	sld [smem:$0x3FA6]  }
0x31: {  	[smem:$0x3FAF] =	sst s10  }
0x32: {  	s10 =	sld [smem:$0x3FAD];
	_ =	sdelay $0x3  }
0x33: {  	p0 =	seq.s32 s10, $0x1;
	s10 =	sld [smem:$0x3FAF];
	_ =	sdelay $0x3  }
0x34: {  	[smem:$0x3FAF] =	sst s10  }
0x35: {  	s10 =	sld [smem:$0x3FAE];
	_ =	sdelay $0x3  }
0x36: {  	p1 =	seq.s32 s10, $0x1;
	s10 =	sld [smem:$0x3FAF];
	_ =	sdelay $0x3  }
0x37: {  	[smem:$0x3FAF] =	sst s10  }
0x38: {  	s10 =	sld [smem:$0x3FB0]  }
0x39: {  	_ = 	snop;
	(pc) =	sbr.ind lr, $3  }
0x3a: {  	_ = 	snop  }
0x3b: {  	_ = 	snop  }
0x3c: {  	p2 =	seq.s32 s10, $0x1;
	s10 =	sld [smem:$0x3FAF]  }
0x3d: {  	_ =	shalt  }
0x3e: {  	_ =	shalt  }
0x3f: {  	_ =	shalt  }
0x40: {  	_ =	shalt  }
0x41: {  	_ =	shalt  }
0x42: {  	_ =	shalt  }
0x43: {  	_ =	shalt  }
0x44: {  	_ =	shalt  }
0x45: {  	_ =	shalt  }
0x46: {  	_ =	shalt  }
0x47: {  	_ =	shalt  }
0x48: {  	_ =	shalt  }
0x49: {  	_ =	shalt  }
0x4a: {  	_ =	shalt  }
0x4b: {  	_ =	shalt  }
0x4c: {  	_ =	shalt  }
0x4d: {  	_ =	shalt  }
0x4e: {  	_ =	shalt  }
0x4f: {  	_ =	shalt  }
0x50: {  	_ =	shalt  }
0x51: {  	_ =	shalt  }
0x52: {  	_ =	shalt  }
0x53: {  	_ =	shalt  }
0x54: {  	_ =	shalt  }
0x55: {  	_ =	shalt  }
0x56: {  	_ =	shalt  }
0x57: {  	_ =	shalt  }
0x58: {  	_ =	shalt  }
0x59: {  	_ =	shalt  }
0x5a: {  	_ =	shalt  }
0x5b: {  	_ =	shalt  }
0x5c: {  	_ =	shalt  }
0x5d: {  	_ =	shalt  }
0x5e: {  	_ =	shalt  }
0x5f: {  	_ =	shalt  }
0x60: {  	_ =	shalt  }
0x61: {  	_ =	shalt  }
0x62: {  	_ =	shalt  }
0x63: {  	_ =	shalt  }
0x64: {  	_ =	shalt  }
0x65: {  	_ =	shalt  }
0x66: {  	_ =	shalt  }
0x67: {  	_ =	shalt  }
0x68: {  	_ =	shalt  }
0x69: {  	_ =	shalt  }
0x6a: {  	_ =	shalt  }
0x6b: {  	_ =	shalt  }
0x6c: {  	_ =	shalt  }
0x6d: {  	_ =	shalt  }
0x6e: {  	_ =	shalt  }
0x6f: {  	_ =	shalt  }
0x70: {  	_ =	shalt  }
0x71: {  	_ =	shalt  }
0x72: {  	_ =	shalt  }
0x73: {  	_ =	shalt  }
0x74: {  	_ =	shalt  }
0x75: {  	_ =	shalt  }
0x76: {  	_ =	shalt  }
0x77: {  	_ =	shalt  }
0x78: {  	_ =	shalt  }
0x79: {  	_ =	shalt  }
0x7a: {  	_ =	shalt  }
0x7b: {  	_ =	shalt  }
0x7c: {  	_ =	shalt  }
0x7d: {  	_ =	shalt  }
0x7e: {  	_ =	shalt  }
0x7f: {  	_ =	shalt  }
0x80: {  	_ =	shalt  }
0x81: {  	_ =	shalt  }
0x82: {  	_ =	shalt  }
0x83: {  	_ =	shalt  }
0x84: {  	_ =	shalt  }
0x85: {  	_ =	shalt  }
0x86: {  	_ =	shalt  }
0x87: {  	_ =	shalt  }
.Lfunc_end0:
.L_simem_size_0:
called_computation_lowered:
.L_overlay_start_0:
0x88: {  	s2 =	sld [smem:$0x3FD9]  }
0x89: {  	s3 =	sld [smem:$0x3FFE];
	_ =	sdelay $0x1  }
0x8a: {  	s1 =	srdreg.scid  }
0x8b: {  	s0 =	sand.u32 $0x1, s1  }
0x8c: {  	s14 =	sshll.u32 s0, $0xA;
	s2 =	sadd.s32 s3, s2  }
0x8d: {  	s2 =	sadd.s32 s2, s14  }
0x8e: {  	[smem:$0x3FBB] =	sst s2  }
0x8f: {  	_ = 	snop  }
0x90: {  	s2 =	sld [smem:$0x3FD0];
	_ =	sdelay $0x2  }
0x91: {  	s15 =	simm.s32 $0xB;
	s4 =	simm.s32 $0x10  }
0x92: {  	[smem:s4], [sflag:s15] =	dma.local [hbm:s2], $0x1  }
0x93: {  	_ =	swait.eq [sflag:s15], $0x1  }
0x94: {  	[sflag:s15] =	ssyncset.done $0x0  }
0x95: {  	[sflag:s15] =	ssyncadd.s32 $0xFFFFFFFF  }
0x96: {  	s16 =	sld [smem:$0x10];
	(tm) =	ssettm $0x1  }
0x97: {  	s17 =	sld [smem:$0x3FFB];
	_ =	sdelay $0x3  }
0x98: {  	_ =	strace s17  }
0x99: {  	s3 =	sld [smem:$0x3FFC];
	_ =	sdelay $0x3  }
0x9a: {  	_ =	strace s3  }
0x9b: {  	s3 =	sld [smem:$0x3FFD];
	_ =	sdelay $0x3  }
0x9c: {  	_ =	strace s3  }
0x9d: {  	_ =	strace $0x8FFFFFFF  }
0x9e: {  	s18 =	sld [smem:$0x3FDB];
	_ =	sdelay $0x1  }
0x9f: {  	s19 =	simm.s32 $_scs_section_size  }
0xa0: {  	s5 =	simm.s32 $_size__tile_overlayer_lowered;
	s6 =	simm.s32 $_tile_overlayer_lowered  }
0xa1: {  	s22 =	simm.s32 $0x1BFF;
	s21 =	sshll.u32 s6, $0x1;
	s3 =	sadd.s32 s19, s18  }
0xa2: {  	s7 =	simm.s32 $0x0;
	s20 =	sshll.u32 s5, $0x1;
	s5 =	sadd.s32 s21, s3  }
0xa3: {  	[timem:s7], [sflag:s22] =	dma.local [hbm:s5], s20  }
0xa4: {  	_ =	swait.ge [sflag:s22], s20  }
0xa5: {  	s4 =	ssub.s32 $0x0, s20;
	[sflag:s22] =	ssyncset.done $0x0  }
0xa6: {  	[sflag:s22] =	ssyncadd.s32 s4;
	_ =	sdelay $0x1  }
0xa7: {  	s23 =	simm.s32 $0x1B8B  }
0xa8: {  	_ =	swait.ge [sflag:s23], $0x1  }
0xa9: {  	[sflag:s23] =	ssyncset.done $0x0  }
0xaa: {  	s25 =	simm.s32 $0x1B8E;
	s24 =	sld [smem:$0x3FFE];
	[sflag:s23] =	ssyncadd.s32 $0xFFFFFFFF  }
0xab: {  	s26 =	simm.s32 $execute0_lowered;
	[smem:$0x3FD2] =	sst s25  }
0xac: {  	s5 =	sshll.u32 s26, $0x1;
	_ =	strace $0x80000046;
	[dreg:$0x1] =	wrdreg $0xFFFFFFFF  }
0xad: {  	s28 =	simm.s32 $_size_execute0_lowered;
	s3 =	sadd.s32 s3, s5;
	[dreg:$0x0] =	wrdreg $0x0  }
0xae: {  	s5 =	sshll.u32 s28, $0x1;
	[dreg:$0x2] =	wrdreg s3  }
0xaf: {  	[dreg:$0x3] =	wrdreg s5  }
0xb0: {  	[dreg:$0x4] =	wrdreg $0xC0  }
0xb1: {  	_ =	task [dreg:s7], $0x5FFFF  }
0xb2: {  	[dreg:$0x1] =	wrdreg $0xFFFFFFFF  }
0xb3: {  	[dreg:$0x0] =	wrdreg $0x60  }
0xb4: {  	[dreg:$0x2] =	wrdreg s24  }
0xb5: {  	[dreg:$0x3] =	wrdreg s16  }
0xb6: {  	[dreg:$0x4] =	wrdreg $0x9  }
0xb7: {  	_ =	task.clear_ibuf [dreg:s7], $0x5FFFF;
	_ =	strace $0x90000046  }
0xb8: {  	s29 =	simm.s32 $0x9;
	_ =	strace $0x80000048  }
0xb9: {  	_ =	swait.ge [sflag:s29], $0x1  }
0xba: {  	[sflag:s29] =	ssyncadd.s32 $0xFFFFFFFF  }
0xbb: {  	_ =	strace $0x90000048  }
0xbc: {  	_ =	sfence  }
0xbd: {  	s30 =	sld [smem:$0x0];
	_ =	sdelay $0x2  }
0xbe: {  	s31 =	sshll.u32 s1, $0xD;
	s1 =	sshrl.u32 s1, $0x2  }
0xbf: {  	s3 =	sand.u32 $0x4000, s31;
	s1 =	sadd.s32 s1, s30  }
0xc0: {  	s0 =	sor.u32 s3, s0;
	s1 =	sshll.u32 s1, $0x11  }
0xc1: {  	s0 =	sor.u32 s1, s0  }
0xc2: {  	s0 =	sadd.s32 $0x8F2B, s0  }
0xc3: {  	[sflag:s0] =	ssyncadd.remote.s32 $0x1  }
0xc4: {  	_ =	sfence.sel $0xFFFF  }
0xc5: {  	[dreg:$0x0] =	wrdreg $0xFFFFFFFF;
	(pc) =	sbr.abs _section_cstart, $3  }
0xc6: {  	[dreg:$0x1] =	wrdreg $0xFFFFFFFF  }
0xc7: {  	_ =	task.clear_ibuf [dreg:s7], $0x2FFFF;
	_ =	strace $0x9FFFFFFF  }
0xc8: {  	(tm) =	ssettm $0x7FFFFFFF  }
0xc9: {  	_ =	shalt  }
tec
execute0_lowered:
.L_overlay_start_1:
0x0: {  	(tag) =	ssettag $0x1  }
0x1: {  	s0 =	stileid.u32;
	s1 =	srdreg.scid  }
0x2: {  	s1 =	sand.u32 $0x1, s1;
	s2 =	sshll.u32 s0, $0x1  }
0x3: {  	s1 =	sor.u32 s2, s1  }
0x4: {  	s2 =	smul.u32 $0xF0, s1;
	_ =	sdelay $0x1  }
0x5: {  	s6 =	ssub.s32 $0x50A0, s2  }
0x6: {  	s8 =	rddreg [dreg:$0x0];
	s31 =	smul.u32 $0x8889, s6  }
0x7: {  	s3 =	rddreg [dreg:$0x1];
	s5 =	simm.s32 $0x1  }
0x8: {  	s10 =	simm.s32 $0x3;
	s13 =	simm.s32 $0x0;
	s7 =	sshrl.u32 s31, $0x1C  }
0x9: {  	s12 =	simm.s32 $0x0;
	s4 =	sadd.s32 $0x3800, s8;
	s9 =	smul.u32 $0x1E00, s7  }
.Ltmp0:
0xa: {  	s8 =	sadd.s32 $0xA5800, s8;
	s1 =	rddreg [dreg:$0x2];
	(pc) =	sbr.rel .LBB2_1-.Ltmp0, $4  }
0xb: {  	_ =	strace $0x80000047;
	p0 =	sne.s32 s6, s9;
	s9 =	simm.s32 $0x1  }
0xc: {  	[sflag:s5] =	ssyncpa.u1 $0x0;
	s6 =	simm.s32 $0x2;
	s9 =	simm.s32 @!p0 $0x0  }
0xd: {  	s11 =	smov.u32 s2;
	[sflag:s6] =	ssyncpa.u1 $0x0;
	s7 =	sadd.s32 s7, s9  }
0xe: {  	vm0 =	vmmov $0xffff;
	[sflag:s10] =	ssyncpa.u1 $0x0;
	s10 =	simm.s32 $0x0;
	s9 =	sadd.s32 $0x1, s7  }
.LBB2_4:
0xf: {  	v2 =	vnsel vm1, $0x0, v2  }
0x10: {  	vm1 =	vgt.s32 v0, $0x0;
	v2 =	vmin.u32 v2, $0x4DBB  }
0x11: {  	v0 =	vnsel vm1, $0x0, v0  }
0x12: {  	v0 =	vmin.u32 v0, $0x4DBB  }
0x13: {  	[tilespmem:s18], [sflag:$0x1] =	stream.indirect_vreg.gather [hbm4b:s4+s10], $0x1, v1, vm0, $0x4038;
	[tilespmem:$0x3C0] =	vst v63  }
0x14: {  	(ifvalue) =	ssetifvalue $0x7FFFFFFF  }
0x15: {  	[tilespmem:s15], [sflag:$0x1] =	stream.indirect_vreg.gather [hbm4b:s4+s10], $0x1, v2, vm0, $0x4038;
	[tilespmem:$0x3C0] =	vst v63  }
0x16: {  	s29 =	sadd.s32 $0x10, s15;
	(ifvalue) =	ssetifvalue $0x7FFFFFFF  }
0x17: {  	[tilespmem:s29], [sflag:$0x1] =	stream.indirect_vreg.gather [hbm4b:s4+s10], $0x1, v0, vm0, $0x4038;
	[tilespmem:$0x3C0] =	vst v63  }
0x18: {  	_ =	swait.ge [sflag:s5], $0xF0  }
0x19: {  	s30 =	sshrl.u32 s13, $0x3;
	[sflag:s5] =	ssyncset.done $0x0  }
0x1a: {  	s31 =	sand.u32 $0x7, s13;
	s15 =	sadd.s32 s8, s30;
	[sflag:s5] =	ssyncadd.s32 $0xFFFFFF10  }
0x1b: {  	[hbm4b:s15+s31] =	stream.linear.scatter [tilespmem:s14], [sflag:$0x3], $0xF0, $0x38;
	[tilespmem:$0x3C0] =	vst v63  }
.LBB2_5:
0x1c: {  	s15 =	sadd.s32 $0x1E00, s11  }
0x1d: {  	p1 =	sgt.s32 s15, $0x509F  }
0x1e: {  	s15 =	smov.u32 @p1 s2;
	p1 =	sne.s32 s12, s9  }
.Ltmp1:
0x1f: {  	p0 =	slt.u32 s12, $0x2;
	(pc) =	sbr.rel @!p1 .LBB2_6-.Ltmp1, $4  }
0x20: {  	s14 =	simm.s32 @!p0 $0x3  }
0x21: {  	_ =	swait.ge @!p0 [sflag:s14], $0xF0  }
0x22: {  	s16 =	sadd.s32 $0x1, s12;
	s13 =	smov.u32 s11;
	[sflag:s14] =	ssyncset.done @!p0 $0x0  }
0x23: {  	s12 =	smov.u32 s16;
	s11 =	smov.u32 s15;
	[sflag:s14] =	ssyncadd.s32 @!p0 $0xFFFFFF10  }
.LBB2_1:
0x24: {  	p0 =	sge.u32 s12, s7  }
0x25: {  	s14 =	sxor.u32 @!p0 $0xFFFFFFFF, s12  }
0x26: {  	s14 =	sand.u32 @!p0 $0x1, s14  }
0x27: {  	s14 =	smul.u32 @!p0 $0x3C0, s14  }
0x28: {  	s31 =	sadd.s32 $0xFFFFFFFF, s12;
	s15 =	sshrl.u32 @!p0 s11, $0x3  }
0x29: {  	s16 =	sand.u32 @!p0 $0x7, s11;
	s15 =	sadd.s32 @!p0 s3, s15;
	s14 =	sshrl.u32 @!p0 s14, $0x2  }
0x2a: {  	[tilespmem:s14], [sflag:$0x2] =	stream.linear.gather @!p0 [hbm4b:s15+s16], $0xF0, $0x38;
	[tilespmem:$0x3C0] =	vst v63  }
0x2b: {  	p0 =	sge.u32 s31, s7  }
.Ltmp2:
0x2c: {  	_ = 	snop;
	(pc) =	sbr.rel @p0 .LBB2_5-.Ltmp2, $1  }
0x2d: {  	_ =	sdelay $0x3  }
0x2e: {  	s14 =	sand.u32 $0x1, s12  }
0x2f: {  	_ =	swait.ge [sflag:s6], $0xF0;
	p0 =	seq.s32 s14, $0x1;
	s14 =	simm.s32 $0xF0  }
0x30: {  	[sflag:s6] =	ssyncset.done $0x0;
	s14 =	simm.s32 @!p0 $0x0  }
0x31: {  	[sflag:s6] =	ssyncadd.s32 $0xFFFFFF10;
	(ifvalue) =	ssetifvalue $0x7FFFFFFF;
	v0 =	vld.msk [tilespmem:s14+$0x0 ss:$0x1], $0xffff;
	_ =	sdelay $0x4  }
0x32: {  	s15 =	sadd.s32 $0x10, s14;
	vm1 =	vgt.s32 v0, $0x0  }
0x33: {  	v2 =	vld.msk [tilespmem:s15+$0x0 ss:$0x1], $0xffff;
	v1 =	vnsel vm1, $0x0, v0  }
0x34: {  	v1 =	vmin.u32 v1, $0x4DBB;
	_ =	sdelay $0x2  }
0x35: {  	s17 =	simm.s32 $0x20;
	s14 =	sadd.s32 $0x1E0, s14;
	s16 =	sadd.s32 $0x10, s15  }
0x36: {  	s15 =	sadd.s32 $0x10, s14;
	s18 =	smov.u32 s14;
	v0 =	vld.msk [tilespmem:s16+$0x0 ss:$0x1], $0xffff;
	vm1 =	vgt.s32 v2, $0x0;
	(ifvalue) =	ssetifvalue $0x7FFFFFFF  }
.LBB2_3:
0x37: {  	[tilespmem:s18], [sflag:$0x1] =	stream.indirect_vreg.gather [hbm4b:s4+s10], $0x1, v1, vm0, $0x4038;
	[tilespmem:$0x3C0] =	vst v63  }
0x38: {  	s17 =	sadd.s32 $0x10, s17  }
0x39: {  	v2 =	vnsel vm1, $0x0, v2;
	p0 =	slt.u32 s17, $0xE0  }
.Ltmp3:
0x3a: {  	s18 =	smov.u32 s15;
	v1 =	vmin.u32 v2, $0x4DBB;
	(pc) =	sbr.rel @p0 .LBB2_3-.Ltmp3, $3  }
0x3b: {  	_ =	sdelay $0x1  }
0x3c: {  	s16 =	sadd.s32 $0x10, s16  }
0x3d: {  	vm1 =	vgt.s32 v0, $0x0;
	s15 =	sadd.s32 $0x10, s15;
	v2 =	vmov v0;
	(ifvalue) =	ssetifvalue $0x7FFFFFFF;
	v0 =	vld.msk [tilespmem:s16+$0x0 ss:$0x1], $0xffff  }
.Ltmp4:
0x3e: {  	_ = 	snop;
	(pc) =	sbr.rel .LBB2_4-.Ltmp4, $1  }
0x3f: {  	_ =	sdelay $0x3  }
.LBB2_6:
0x40: {  	_ =	sfence.sel $0x180000  }
0x41: {  	s2 =	simm.s32 $0x2;
	[bflag:$0x0] =	sbarrier.arrive $0xFFFF  }
0x42: {  	s30 =	simm.s32 $0x3;
	[sflag:s2] =	ssyncpa.u1 $0x1  }
0x43: {  	s31 =	simm.s32 $0x1;
	[sflag:s30] =	ssyncpa.u1 $0x1  }
0x44: {  	[sflag:s31] =	ssyncpa.u1 $0x1  }
0x45: {  	p0 =	sne.s32 s0, $0x0;
	_ =	strace $0x90000047  }
0x46: {  	s0 =	sadd.s32 @!p0 $0x100000, s1;
	[bflag:$0x2] =	sbarrier.arrive $0xFFFF  }
0x47: {  	[sflag:s0] =	ssyncadd.tile.s32 @!p0 $0x1;
	_ =	shalt  }
.Lfunc_end2:
_tile_overlayer_lowered:
.L_overlay_start_2:
0x48: {  	(tag) =	ssettag $0x2  }
0x49: {  	s0 =	rddreg [dreg:$0x0];
	s2 =	stileid.u32  }
0x4a: {  	s1 =	rddreg [dreg:$0x1];
	p0 =	sne.s32 s2, $0x0  }
0x4b: {  	s3 =	rddreg [dreg:$0x2];
	[bflag:$0x3] =	sbarrier.arrive $0xFFFF;
	s2 =	simm.s32 @!p0 $0x1C01  }
0x4c: {  	[timem:s3], [sflag:s2] =	dma.local @!p0 [hbm:s0], s1  }
0x4d: {  	s0 =	simm.s32 @!p0 $0x1  }
0x4e: {  	_ =	swait.ge @!p0 [sflag:s0], s1  }
0x4f: {  	s1 =	ssub.s32 @!p0 $0x0, s1;
	[sflag:s0] =	ssyncset.done @!p0 $0x0  }
0x50: {  	[sflag:s0] =	ssyncadd.s32 @!p0 s1  }
0x51: {  	[bflag:$0x3] =	sbarrier.arrive $0xFFFF  }
0x52: {  	_ =	shalt  }

</sc_bundles>
